<compile_context>
chip_gen: v7x
topology: tpu7x:2x2x1
jax: 0.10.2.dev20260603
libtpu: 0.0.44.dev20260713+nightly
codegen_flags: <defaults>
</compile_context>

<pallas_src>
import jax
import jax.numpy as jnp
from jax.experimental import pallas as pl
from jax.experimental.pallas import tpu as pltpu

_E = 8
_TB = 256
_BI = 512
_TBR = 512
_TBS = 256
_VMEM = 134217728


def _router_body(hs_ref, rw_ref, out_ref):
    x = hs_ref[...]
    rw = rw_ref[...]
    logits = jax.lax.dot_general(
        rw, x, (((1,), (1,)), ((), ())),
        preferred_element_type=jnp.float32)
    top_v = jnp.max(logits, axis=0, keepdims=True)
    top_i = jnp.argmax(logits, axis=0).reshape(1, -1).astype(jnp.int32)
    sig = jax.nn.sigmoid(top_v)
    eids = jax.lax.broadcasted_iota(jnp.int32, out_ref.shape, 0)
    out_ref[...] = jnp.where(eids == top_i, sig, 0.0)


def _grouped_body(blk_ref, exp_ref, first_ref, offs_ref,
                  x_ref, wg_ref, wu_ref, wd_ref, o_ref):
    s = pl.program_id(0)
    ib = pl.program_id(1)
    x = x_ref[...]
    gate = jnp.dot(x, wg_ref[0].astype(jnp.bfloat16),
                   preferred_element_type=jnp.float32)
    up = jnp.dot(x, wu_ref[0].astype(jnp.bfloat16),
                 preferred_element_type=jnp.float32)
    act = up * (gate * jax.nn.sigmoid(gate))
    e = exp_ref[s]
    lo = offs_ref[e]
    hi = offs_ref[e + 1]
    rows = jax.lax.broadcasted_iota(jnp.int32, act.shape, 0) + blk_ref[s] * _TB
    act = jnp.where((rows >= lo) & (rows < hi), act, 0.0).astype(jnp.bfloat16)
    contrib = jnp.dot(act, wd_ref[0].astype(jnp.bfloat16),
                      preferred_element_type=jnp.float32)
    first = (first_ref[s] == 1) & (ib == 0)

    @pl.when(first)
    def _():
        o_ref[...] = contrib

    @pl.when(jnp.logical_not(first))
    def _():
        o_ref[...] += contrib


_DN_T = (((1,), (1,)), ((), ()))


def _shared_act_body(hs_ref, wg_ref, wu_ref, act_ref, wg_bf, wu_bf):
    @pl.when(pl.program_id(0) == 0)
    def _():
        wg_bf[...] = wg_ref[...].astype(jnp.bfloat16)
        wu_bf[...] = wu_ref[...].astype(jnp.bfloat16)

    x = hs_ref[...].astype(jnp.bfloat16)
    gate = jax.lax.dot_general(x, wg_bf[...], _DN_T,
                               preferred_element_type=jnp.float32)
    up = jax.lax.dot_general(x, wu_bf[...], _DN_T,
                             preferred_element_type=jnp.float32)
    act_ref[...] = (up * (gate * jax.nn.sigmoid(gate))).astype(jnp.bfloat16)


def _shared_down_body(act_ref, wd_ref, r_ref, o_ref, wd_bf):
    @pl.when(pl.program_id(0) == 0)
    def _():
        wd_bf[...] = wd_ref[...].astype(jnp.bfloat16)

    o_ref[...] = r_ref[...] + jax.lax.dot_general(
        act_ref[...], wd_bf[...], _DN_T, preferred_element_type=jnp.float32)


def kernel(hidden_states, router_w, gate_up_proj, down_proj, gate_w, up_w, down_w):
    b, s_len, h = hidden_states.shape
    hs = hidden_states.reshape(-1, h)
    t = hs.shape[0]
    i_dim = down_proj.shape[1]
    nb = t // _TB
    nib = i_dim // _BI
    n_steps = nb + _E - 1

    router_scores = pl.pallas_call(
        _router_body,
        grid=(t // _TBR,),
        in_specs=[
            pl.BlockSpec((_TBR, h), lambda i: (i, 0)),
            pl.BlockSpec((_E, h), lambda i: (0, 0)),
        ],
        out_specs=pl.BlockSpec((_E, _TBR), lambda i: (0, i)),
        out_shape=jax.ShapeDtypeStruct((_E, t), jnp.float32),
    )(hs, router_w)

    top_i = jnp.argmax(router_scores, axis=0).astype(jnp.int32)
    score_t = jnp.max(router_scores, axis=0)
    sort_idx = jnp.argsort(top_i)
    sizes = jnp.bincount(top_i, length=_E).astype(jnp.int32)
    offs = jnp.concatenate(
        [jnp.zeros((1,), jnp.int32), jnp.cumsum(sizes).astype(jnp.int32)])
    offs_pad = jnp.concatenate([offs, jnp.full((1,), t, jnp.int32)])

    start_blk = offs[:_E] // _TB
    end_blk = (offs[1:_E + 1] - 1) // _TB
    nblk = jnp.where(sizes > 0, end_blk - start_blk + 1, 0)
    step_start = jnp.cumsum(nblk) - nblk
    num_real = jnp.sum(nblk)
    sidx = jnp.arange(n_steps, dtype=jnp.int32)
    expert_of = jnp.repeat(
        jnp.arange(_E, dtype=jnp.int32), nblk, total_repeat_length=n_steps)
    valid = sidx < num_real
    block_id = jnp.where(
        valid, start_blk[expert_of] + (sidx - step_start[expert_of]), nb - 1
    ).astype(jnp.int32)
    expert_id = jnp.where(valid, expert_of, _E).astype(jnp.int32)
    prev_blk = jnp.concatenate([jnp.full((1,), -1, jnp.int32), block_id[:-1]])
    first_flag = (block_id != prev_blk).astype(jnp.int32)

    x_sorted = (hs[sort_idx] * score_t[sort_idx][:, None]).astype(jnp.bfloat16)

    def _wexp(exp):
        return jnp.minimum(exp, _E - 1)

    y_sorted = pl.pallas_call(
        _grouped_body,
        grid_spec=pltpu.PrefetchScalarGridSpec(
            num_scalar_prefetch=4,
            grid=(n_steps, nib),
            in_specs=[
                pl.BlockSpec((_TB, h),
                             lambda s, ib, blk, exp, fst, off: (blk[s], 0)),
                pl.BlockSpec((1, h, _BI),
                             lambda s, ib, blk, exp, fst, off: (_wexp(exp[s]), 0, ib)),
                pl.BlockSpec((1, h, _BI),
                             lambda s, ib, blk, exp, fst, off:
                             (_wexp(exp[s]), 0, ib + (down_proj.shape[1] // _BI))),
                pl.BlockSpec((1, _BI, h),
                             lambda s, ib, blk, exp, fst, off: (_wexp(exp[s]), ib, 0)),
            ],
            out_specs=pl.BlockSpec((_TB, h),
                                   lambda s, ib, blk, exp, fst, off: (blk[s], 0)),
        ),
        out_shape=jax.ShapeDtypeStruct((t, h), jnp.float32),
        compiler_params=pltpu.CompilerParams(
            dimension_semantics=("arbitrary", "arbitrary"),
            vmem_limit_bytes=_VMEM),
    )(block_id, expert_id, first_flag, offs_pad,
      x_sorted, gate_up_proj, gate_up_proj, down_proj)

    routed_nat = jnp.zeros((t, h), jnp.float32).at[sort_idx].set(y_sorted)

    act = pl.pallas_call(
        _shared_act_body,
        grid=(t // _TBS,),
        in_specs=[
            pl.BlockSpec((_TBS, h), lambda i: (i, 0)),
            pl.BlockSpec((i_dim, h), lambda i: (0, 0)),
            pl.BlockSpec((i_dim, h), lambda i: (0, 0)),
        ],
        out_specs=pl.BlockSpec((_TBS, i_dim), lambda i: (i, 0)),
        out_shape=jax.ShapeDtypeStruct((t, i_dim), jnp.bfloat16),
        scratch_shapes=[
            pltpu.VMEM((i_dim, h), jnp.bfloat16),
            pltpu.VMEM((i_dim, h), jnp.bfloat16),
        ],
        compiler_params=pltpu.CompilerParams(
            dimension_semantics=("arbitrary",),
            vmem_limit_bytes=_VMEM),
    )(hs, gate_w, up_w)

    out = pl.pallas_call(
        _shared_down_body,
        grid=(t // _TBS,),
        in_specs=[
            pl.BlockSpec((_TBS, i_dim), lambda i: (i, 0)),
            pl.BlockSpec((h, i_dim), lambda i: (0, 0)),
            pl.BlockSpec((_TBS, h), lambda i: (i, 0)),
        ],
        out_specs=pl.BlockSpec((_TBS, h), lambda i: (i, 0)),
        out_shape=jax.ShapeDtypeStruct((t, h), jnp.float32),
        scratch_shapes=[
            pltpu.VMEM((h, i_dim), jnp.bfloat16),
        ],
        compiler_params=pltpu.CompilerParams(
            dimension_semantics=("arbitrary",),
            vmem_limit_bytes=_VMEM),
    )(act, down_w, routed_nat)

    return out, router_scores

# --- scband reference (transcript-rebuilt; emitter-appended) ---
"""Pipeline reference for scband-llama4-text-moe-45251775431030 (READ-ONLY COPY).

The authoritative reference and input builder live on the scoring server;
editing this copy changes nothing except your own understanding.
"""

import jax, jax.numpy as jnp
import numpy as np

E = 8
TOP_K = 1
H = 2048
I = 2048
B = 1
S = 2048


def setup_inputs(seed: int = 0) -> dict:
    key = jax.random.key(seed)
    ks = jax.random.split(key, 7)
    hidden_states = jax.random.normal(ks[0], (B, S, H), dtype=jnp.float32)
    router_w = jax.random.normal(ks[1], (E, H), dtype=jnp.float32) * 0.02
    gate_up_proj = jax.random.normal(ks[2], (E, H, 2 * I), dtype=jnp.float32) * 0.02
    down_proj = jax.random.normal(ks[3], (E, I, H), dtype=jnp.float32) * 0.02
    gate_w = jax.random.normal(ks[4], (I, H), dtype=jnp.float32) * 0.02
    up_w = jax.random.normal(ks[5], (I, H), dtype=jnp.float32) * 0.02
    down_w = jax.random.normal(ks[6], (H, I), dtype=jnp.float32) * 0.02
    return {
        "hidden_states": hidden_states,
        "router_w": router_w,
        "gate_up_proj": gate_up_proj,
        "down_proj": down_proj,
        "gate_w": gate_w,
        "up_w": up_w,
        "down_w": down_w,
    }


def _moe_forward(hidden_states, router_w, gate_up_proj, down_proj, gate_w, up_w, down_w):
    b, s, h = hidden_states.shape
    hs = hidden_states.reshape(-1, h)  # [T, H]
    T = hs.shape[0]
    # Router: Linear(H, E, bias=False)
    router_logits = hs @ router_w.T  # [T, E]
    # topk over experts per token
    top_v, top_i = jax.lax.top_k(router_logits, TOP_K)  # [T, k]
    rows = jnp.arange(T)[:, None]
    scores_te = jnp.full_like(router_logits, -jnp.inf)
    scores_te = scores_te.at[rows, top_i].set(top_v)  # scatter along dim 1
    router_scores = jax.nn.sigmoid(scores_te.T.astype(jnp.float32)).astype(hs.dtype)  # [E, T]
    # Dense dispatch: replicate all tokens to all experts, weight by scores
    routed_in = jnp.tile(hs, (E, 1)) * router_scores.reshape(-1, 1)  # [E*T, H]
    x = routed_in.reshape(E, -1, h)  # [E, T, H]
    gate_up = jnp.einsum('eth,ehf->etf', x, gate_up_proj)  # [E, T, 2I]
    gate, up = jnp.split(gate_up, 2, axis=-1)
    routed_out = jnp.einsum('eti,eih->eth', up * jax.nn.silu(gate), down_proj)  # [E, T, H]
    # Shared expert MLP
    shared = (jax.nn.silu(hs @ gate_w.T) * (hs @ up_w.T)) @ down_w.T  # [T, H]
    out = shared + routed_out.sum(axis=0)
    return out, router_scores


def reference(hidden_states, router_w, gate_up_proj, down_proj, gate_w, up_w, down_w):
    return _moe_forward(hidden_states, router_w, gate_up_proj, down_proj, gate_w, up_w, down_w)

if __name__ == "__main__":
    import jax
    _d = setup_inputs()
    print(jax.jit(kernel)(*tuple(_d.values())))

</pallas_src>

<mosaic_0001>
module attributes {stable_mosaic.version = 14 : i64} {
  func.func @_router_body(%arg0: i32, %arg1: memref<512x2048xf32, #tpu.memory_space<vmem>>, %arg2: memref<8x2048xf32, #tpu.memory_space<vmem>>, %arg3: memref<8x512xf32, #tpu.memory_space<vmem>>) attributes {dimension_semantics = [#tpu.dimension_semantics<arbitrary>], iteration_bounds = array<i64: 4>, scalar_prefetch = 0 : i64, scratch_operands = 0 : i64, tpu.core_type = #tpu.core_type<tc>, window_params = [{transform_indices = @transform_0, window_bounds = array<i64: 512, 2048>}, {pipeline_mode = #tpu.pipeline_mode<synchronous>, transform_indices = @transform_1, window_bounds = array<i64: 8, 2048>}, {transform_indices = @transform_2, window_bounds = array<i64: 8, 512>}]} {
    %get3A = arith.constant 0 : index
    %get3A_0 = arith.constant 0 : index
    %get3A_1 = vector.load %arg1[%get3A, %get3A_0] : memref<512x2048xf32, #tpu.memory_space<vmem>>, vector<512x2048xf32>
    %get3A_2 = arith.constant 0 : index
    %get3A_3 = arith.constant 0 : index
    %get3A_4 = vector.load %arg2[%get3A_2, %get3A_3] : memref<8x2048xf32, #tpu.memory_space<vmem>>, vector<8x2048xf32>
    %dot_general3A = arith.constant dense<0.000000e+00> : vector<8x512xf32>
    %dot_general3A_5 = tpu.matmul %get3A_4, %get3A_1, %dot_general3A {dimension_numbers = #tpu.dot_dimension_numbers<[1], [1], [0], [0], [0, 0, 1, 0], [], []>, transpose_lhs_hint = false} : vector<8x2048xf32>, vector<512x2048xf32>, vector<8x512xf32> -> vector<8x512xf32>
    %reduce_max3A = arith.constant dense<0xFF800000> : vector<512xf32>
    %reduce_max3A_6 = vector.multi_reduction <maximumf>, %dot_general3A_5, %reduce_max3A [0] : vector<8x512xf32> to vector<512xf32>
    %broadcast_in_dim3A = vector.shape_cast %reduce_max3A_6 : vector<512xf32> to vector<1x512xf32>
    %argmax3A = tpu.reduce_index %dot_general3A_5 {axis = 0 : i32, kind = #tpu.reduction_kind<arg_max>} : vector<8x512xf32> -> vector<512xi32>
    %reshape3A = vector.shape_cast %argmax3A : vector<512xi32> to vector<1x512xi32>
    %logistic3A = arith.negf %broadcast_in_dim3A : vector<1x512xf32>
    %logistic3A_7 = math.exp %logistic3A : vector<1x512xf32>
    %logistic3A_8 = arith.constant 1.000000e+00 : f32
    %logistic3A_9 = vector.broadcast %logistic3A_8 : f32 to vector<1x512xf32>
    %logistic3A_10 = arith.addf %logistic3A_9, %logistic3A_7 : vector<1x512xf32>
    %logistic3A_11 = arith.divf %logistic3A_9, %logistic3A_10 : vector<1x512xf32>
    %iota3A = tpu.iota {dimensions = array<i32: 0>} : vector<8x512xi32>
    %eq3A = vector.broadcast %reshape3A : vector<1x512xi32> to vector<8x512xi32>
    %eq3A_12 = arith.cmpi eq, %iota3A, %eq3A : vector<8x512xi32>
    %jit3A = arith.constant 0.000000e+00 : f32
    %broadcast_in_dim3A_13 = vector.shape_cast %logistic3A_11 : vector<1x512xf32> to vector<1x512xf32>
    %broadcast_in_dim3A_14 = vector.broadcast %broadcast_in_dim3A_13 : vector<1x512xf32> to vector<8x512xf32>
    %broadcast_in_dim3A_15 = vector.broadcast %jit3A : f32 to vector<8x512xf32>
    %select_n3A = arith.select %eq3A_12, %broadcast_in_dim3A_14, %broadcast_in_dim3A_15 : vector<8x512xi1>, vector<8x512xf32>
    %swap3A = arith.constant 0 : index
    %swap3A_16 = arith.constant 0 : index
    %swap3A_17 = vector.load %arg3[%swap3A, %swap3A_16] : memref<8x512xf32, #tpu.memory_space<vmem>>, vector<8x512xf32>
    tpu.vector_store %arg3[%swap3A, %swap3A_16], %select_n3A {strides = array<i32>} : memref<8x512xf32, #tpu.memory_space<vmem>>, vector<8x512xf32>,
    return
  }
  func.func @transform_0(%arg0: i32) -> (i32, i32) {
    %c0_i32 = arith.constant 0 : i32
    %c0_i32_0 = arith.constant 0 : i32
    return %arg0, %c0_i32 : i32, i32
  }
  func.func @transform_1(%arg0: i32) -> (i32, i32) {
    %c0_i32 = arith.constant 0 : i32
    %c0_i32_0 = arith.constant 0 : i32
    %c0_i32_1 = arith.constant 0 : i32
    return %c0_i32, %c0_i32_0 : i32, i32
  }
  func.func @transform_2(%arg0: i32) -> (i32, i32) {
    %c0_i32 = arith.constant 0 : i32
    %c0_i32_0 = arith.constant 0 : i32
    return %c0_i32, %arg0 : i32, i32
  }
}

module attributes {stable_mosaic.version = 14 : i64} {
  func.func @_shared_act_body(%arg0: i32, %arg1: memref<256x2048xf32, #tpu.memory_space<vmem>>, %arg2: memref<2048x2048xf32, #tpu.memory_space<vmem>>, %arg3: memref<2048x2048xf32, #tpu.memory_space<vmem>>, %arg4: memref<256x2048xbf16, #tpu.memory_space<vmem>>, %arg5: memref<2048x2048xbf16, #tpu.memory_space<vmem>>, %arg6: memref<2048x2048xbf16, #tpu.memory_space<vmem>>) attributes {dimension_semantics = [#tpu.dimension_semantics<arbitrary>], iteration_bounds = array<i64: 8>, scalar_prefetch = 0 : i64, scratch_operands = 2 : i64, tpu.core_type = #tpu.core_type<tc>, window_params = [{transform_indices = @transform_0, window_bounds = array<i64: 256, 2048>}, {pipeline_mode = #tpu.pipeline_mode<synchronous>, transform_indices = @transform_1, window_bounds = array<i64: 2048, 2048>}, {pipeline_mode = #tpu.pipeline_mode<synchronous>, transform_indices = @transform_2, window_bounds = array<i64: 2048, 2048>}, {transform_indices = @transform_3, window_bounds = array<i64: 256, 2048>}]} {
    %eq3A = arith.constant 0 : i32
    %eq3A_0 = arith.cmpi eq, %arg0, %eq3A : i32
    %convert_element_type3A = arith.extui %eq3A_0 : i1 to i32
    %cond3A = arith.constant 0 : i32
    %cond3A_1 = arith.cmpi ne, %convert_element_type3A, %cond3A : i32
    scf.if %cond3A_1 {
      %get3A_23 = arith.constant 0 : index
      %get3A_24 = arith.constant 0 : index
      %get3A_25 = vector.load %arg2[%get3A_23, %get3A_24] : memref<2048x2048xf32, #tpu.memory_space<vmem>>, vector<2048x2048xf32>
      %convert_element_type3A_26 = arith.truncf %get3A_25 : vector<2048x2048xf32> to vector<2048x2048xbf16>
      %swap3A_27 = arith.constant 0 : index
      %swap3A_28 = arith.constant 0 : index
      %swap3A_29 = vector.load %arg5[%swap3A_27, %swap3A_28] : memref<2048x2048xbf16, #tpu.memory_space<vmem>>, vector<2048x2048xbf16>
      tpu.vector_store %arg5[%swap3A_27, %swap3A_28], %convert_element_type3A_26 {strides = array<i32>} : memref<2048x2048xbf16, #tpu.memory_space<vmem>>, vector<2048x2048xbf16>,
      %get3A_30 = arith.constant 0 : index
      %get3A_31 = arith.constant 0 : index
      %get3A_32 = vector.load %arg3[%get3A_30, %get3A_31] : memref<2048x2048xf32, #tpu.memory_space<vmem>>, vector<2048x2048xf32>
      %convert_element_type3A_33 = arith.truncf %get3A_32 : vector<2048x2048xf32> to vector<2048x2048xbf16>
      %swap3A_34 = arith.constant 0 : index
      %swap3A_35 = arith.constant 0 : index
      %swap3A_36 = vector.load %arg6[%swap3A_34, %swap3A_35] : memref<2048x2048xbf16, #tpu.memory_space<vmem>>, vector<2048x2048xbf16>
      tpu.vector_store %arg6[%swap3A_34, %swap3A_35], %convert_element_type3A_33 {strides = array<i32>} : memref<2048x2048xbf16, #tpu.memory_space<vmem>>, vector<2048x2048xbf16>,
    } else {
    }
    %get3A = arith.constant 0 : index
    %get3A_2 = arith.constant 0 : index
    %get3A_3 = vector.load %arg1[%get3A, %get3A_2] : memref<256x2048xf32, #tpu.memory_space<vmem>>, vector<256x2048xf32>
    %convert_element_type3A_4 = arith.truncf %get3A_3 : vector<256x2048xf32> to vector<256x2048xbf16>
    %get3A_5 = arith.constant 0 : index
    %get3A_6 = arith.constant 0 : index
    %get3A_7 = vector.load %arg5[%get3A_5, %get3A_6] : memref<2048x2048xbf16, #tpu.memory_space<vmem>>, vector<2048x2048xbf16>
    %dot_general3A = arith.constant dense<0.000000e+00> : vector<256x2048xf32>
    %dot_general3A_8 = tpu.matmul %convert_element_type3A_4, %get3A_7, %dot_general3A {dimension_numbers = #tpu.dot_dimension_numbers<[1], [1], [0], [0], [0, 0, 1, 0], [], []>, transpose_lhs_hint = false} : vector<256x2048xbf16>, vector<2048x2048xbf16>, vector<256x2048xf32> -> vector<256x2048xf32>
    %get3A_9 = arith.constant 0 : index
    %get3A_10 = arith.constant 0 : index
    %get3A_11 = vector.load %arg6[%get3A_9, %get3A_10] : memref<2048x2048xbf16, #tpu.memory_space<vmem>>, vector<2048x2048xbf16>
    %dot_general3A_12 = arith.constant dense<0.000000e+00> : vector<256x2048xf32>
    %dot_general3A_13 = tpu.matmul %convert_element_type3A_4, %get3A_11, %dot_general3A_12 {dimension_numbers = #tpu.dot_dimension_numbers<[1], [1], [0], [0], [0, 0, 1, 0], [], []>, transpose_lhs_hint = false} : vector<256x2048xbf16>, vector<2048x2048xbf16>, vector<256x2048xf32> -> vector<256x2048xf32>
    %logistic3A = arith.negf %dot_general3A_8 : vector<256x2048xf32>
    %logistic3A_14 = math.exp %logistic3A : vector<256x2048xf32>
    %logistic3A_15 = arith.constant 1.000000e+00 : f32
    %logistic3A_16 = vector.broadcast %logistic3A_15 : f32 to vector<256x2048xf32>
    %logistic3A_17 = arith.addf %logistic3A_16, %logistic3A_14 : vector<256x2048xf32>
    %logistic3A_18 = arith.divf %logistic3A_16, %logistic3A_17 : vector<256x2048xf32>
    %mul3A = arith.mulf %dot_general3A_8, %logistic3A_18 : vector<256x2048xf32>
    %mul3A_19 = arith.mulf %dot_general3A_13, %mul3A : vector<256x2048xf32>
    %convert_element_type3A_20 = arith.truncf %mul3A_19 : vector<256x2048xf32> to vector<256x2048xbf16>
    %swap3A = arith.constant 0 : index
    %swap3A_21 = arith.constant 0 : index
    %swap3A_22 = vector.load %arg4[%swap3A, %swap3A_21] : memref<256x2048xbf16, #tpu.memory_space<vmem>>, vector<256x2048xbf16>
    tpu.vector_store %arg4[%swap3A, %swap3A_21], %convert_element_type3A_20 {strides = array<i32>} : memref<256x2048xbf16, #tpu.memory_space<vmem>>, vector<256x2048xbf16>,
    return
  }
  func.func @transform_0(%arg0: i32) -> (i32, i32) {
    %c0_i32 = arith.constant 0 : i32
    %c0_i32_0 = arith.constant 0 : i32
    return %arg0, %c0_i32 : i32, i32
  }
  func.func @transform_1(%arg0: i32) -> (i32, i32) {
    %c0_i32 = arith.constant 0 : i32
    %c0_i32_0 = arith.constant 0 : i32
    %c0_i32_1 = arith.constant 0 : i32
    return %c0_i32, %c0_i32_0 : i32, i32
  }
  func.func @transform_2(%arg0: i32) -> (i32, i32) {
    %c0_i32 = arith.constant 0 : i32
    %c0_i32_0 = arith.constant 0 : i32
    %c0_i32_1 = arith.constant 0 : i32
    return %c0_i32, %c0_i32_0 : i32, i32
  }
  func.func @transform_3(%arg0: i32) -> (i32, i32) {
    %c0_i32 = arith.constant 0 : i32
    %c0_i32_0 = arith.constant 0 : i32
    return %arg0, %c0_i32 : i32, i32
  }
}

module attributes {stable_mosaic.version = 14 : i64} {
  func.func @_grouped_body(%arg0: i32, %arg1: i32, %arg2: memref<15xi32, #tpu.memory_space<smem>>, %arg3: memref<15xi32, #tpu.memory_space<smem>>, %arg4: memref<15xi32, #tpu.memory_space<smem>>, %arg5: memref<10xi32, #tpu.memory_space<smem>>, %arg6: memref<256x2048xbf16, #tpu.memory_space<vmem>>, %arg7: memref<1x2048x512xf32, #tpu.memory_space<vmem>>, %arg8: memref<1x2048x512xf32, #tpu.memory_space<vmem>>, %arg9: memref<1x512x2048xf32, #tpu.memory_space<vmem>>, %arg10: memref<256x2048xf32, #tpu.memory_space<vmem>>) attributes {dimension_semantics = [#tpu.dimension_semantics<arbitrary>, #tpu.dimension_semantics<arbitrary>], iteration_bounds = array<i64: 15, 4>, scalar_prefetch = 4 : i64, scratch_operands = 0 : i64, tpu.core_type = #tpu.core_type<tc>, window_params = [{transform_indices = @transform_0, window_bounds = array<i64: 256, 2048>}, {transform_indices = @transform_1, window_bounds = array<i64: 1, 2048, 512>}, {transform_indices = @transform_2, window_bounds = array<i64: 1, 2048, 512>}, {transform_indices = @transform_3, window_bounds = array<i64: 1, 512, 2048>}, {transform_indices = @transform_4, window_bounds = array<i64: 256, 2048>}]} {
    %get3A = arith.constant 0 : index
    %get3A_0 = arith.constant 0 : index
    %get3A_1 = vector.load %arg6[%get3A, %get3A_0] : memref<256x2048xbf16, #tpu.memory_space<vmem>>, vector<256x2048xbf16>
    %get3A_2 = arith.constant 0 : index
    %get3A_3 = arith.constant 0 : index
    %get3A_4 = arith.constant 0 : index
    %get3A_5 = vector.load %arg7[%get3A_2, %get3A_3, %get3A_4] : memref<1x2048x512xf32, #tpu.memory_space<vmem>>, vector<1x2048x512xf32>
    %get3A_6 = vector.shape_cast %get3A_5 : vector<1x2048x512xf32> to vector<2048x512xf32>
    %convert_element_type3A = arith.truncf %get3A_6 : vector<2048x512xf32> to vector<2048x512xbf16>
    %dot_general3A = arith.constant dense<0.000000e+00> : vector<256x512xf32>
    %dot_general3A_7 = tpu.matmul %get3A_1, %convert_element_type3A, %dot_general3A {dimension_numbers = #tpu.dot_dimension_numbers<[1], [0], [0], [1], [0, 0, 1, 1], [], []>, transpose_lhs_hint = false} : vector<256x2048xbf16>, vector<2048x512xbf16>, vector<256x512xf32> -> vector<256x512xf32>
    %get3A_8 = arith.constant 0 : index
    %get3A_9 = arith.constant 0 : index
    %get3A_10 = arith.constant 0 : index
    %get3A_11 = vector.load %arg8[%get3A_8, %get3A_9, %get3A_10] : memref<1x2048x512xf32, #tpu.memory_space<vmem>>, vector<1x2048x512xf32>
    %get3A_12 = vector.shape_cast %get3A_11 : vector<1x2048x512xf32> to vector<2048x512xf32>
    %convert_element_type3A_13 = arith.truncf %get3A_12 : vector<2048x512xf32> to vector<2048x512xbf16>
    %dot_general3A_14 = arith.constant dense<0.000000e+00> : vector<256x512xf32>
    %dot_general3A_15 = tpu.matmul %get3A_1, %convert_element_type3A_13, %dot_general3A_14 {dimension_numbers = #tpu.dot_dimension_numbers<[1], [0], [0], [1], [0, 0, 1, 1], [], []>, transpose_lhs_hint = false} : vector<256x2048xbf16>, vector<2048x512xbf16>, vector<256x512xf32> -> vector<256x512xf32>
    %logistic3A = arith.negf %dot_general3A_7 : vector<256x512xf32>
    %logistic3A_16 = math.exp %logistic3A : vector<256x512xf32>
    %logistic3A_17 = arith.constant 1.000000e+00 : f32
    %logistic3A_18 = vector.broadcast %logistic3A_17 : f32 to vector<256x512xf32>
    %logistic3A_19 = arith.addf %logistic3A_18, %logistic3A_16 : vector<256x512xf32>
    %logistic3A_20 = arith.divf %logistic3A_18, %logistic3A_19 : vector<256x512xf32>
    %mul3A = arith.mulf %dot_general3A_7, %logistic3A_20 : vector<256x512xf32>
    %mul3A_21 = arith.mulf %dot_general3A_15, %mul3A : vector<256x512xf32>
    %get3A_22 = arith.index_cast %arg0 : i32 to index
    %get3A_23 = memref.load %arg3[%get3A_22] : memref<15xi32, #tpu.memory_space<smem>>
    %get3A_24 = arith.index_cast %get3A_23 : i32 to index
    %get3A_25 = memref.load %arg5[%get3A_24] : memref<10xi32, #tpu.memory_space<smem>>
    %add3A = arith.constant 1 : i32
    %add3A_26 = arith.addi %get3A_23, %add3A : i32
    %get3A_27 = arith.index_cast %add3A_26 : i32 to index
    %get3A_28 = memref.load %arg5[%get3A_27] : memref<10xi32, #tpu.memory_space<smem>>
    %iota3A = tpu.iota {dimensions = array<i32: 0>} : vector<256x512xi32>
    %get3A_29 = arith.index_cast %arg0 : i32 to index
    %get3A_30 = memref.load %arg2[%get3A_29] : memref<15xi32, #tpu.memory_space<smem>>
    %mul3A_31 = arith.constant 256 : i32
    %mul3A_32 = arith.muli %get3A_30, %mul3A_31 : i32
    %add3A_33 = vector.broadcast %mul3A_32 : i32 to vector<256x512xi32>
    %add3A_34 = arith.addi %iota3A, %add3A_33 : vector<256x512xi32>
    %ge3A = vector.broadcast %get3A_25 : i32 to vector<256x512xi32>
    %ge3A_35 = arith.cmpi sge, %add3A_34, %ge3A : vector<256x512xi32>
    %lt3A = vector.broadcast %get3A_28 : i32 to vector<256x512xi32>
    %lt3A_36 = arith.cmpi slt, %add3A_34, %lt3A : vector<256x512xi32>
    %and3A = arith.andi %ge3A_35, %lt3A_36 : vector<256x512xi1>
    %jit3A = arith.constant 0.000000e+00 : f32
    %broadcast_in_dim3A = vector.broadcast %jit3A : f32 to vector<256x512xf32>
    %select_n3A = arith.select %and3A, %mul3A_21, %broadcast_in_dim3A : vector<256x512xi1>, vector<256x512xf32>
    %convert_element_type3A_37 = arith.truncf %select_n3A : vector<256x512xf32> to vector<256x512xbf16>
    %get3A_38 = arith.constant 0 : index
    %get3A_39 = arith.constant 0 : index
    %get3A_40 = arith.constant 0 : index
    %get3A_41 = vector.load %arg9[%get3A_38, %get3A_39, %get3A_40] : memref<1x512x2048xf32, #tpu.memory_space<vmem>>, vector<1x512x2048xf32>
    %get3A_42 = vector.shape_cast %get3A_41 : vector<1x512x2048xf32> to vector<512x2048xf32>
    %convert_element_type3A_43 = arith.truncf %get3A_42 : vector<512x2048xf32> to vector<512x2048xbf16>
    %dot_general3A_44 = arith.constant dense<0.000000e+00> : vector<256x2048xf32>
    %dot_general3A_45 = tpu.matmul %convert_element_type3A_37, %convert_element_type3A_43, %dot_general3A_44 {dimension_numbers = #tpu.dot_dimension_numbers<[1], [0], [0], [1], [0, 0, 1, 1], [], []>, transpose_lhs_hint = false} : vector<256x512xbf16>, vector<512x2048xbf16>, vector<256x2048xf32> -> vector<256x2048xf32>
    %get3A_46 = arith.index_cast %arg0 : i32 to index
    %get3A_47 = memref.load %arg4[%get3A_46] : memref<15xi32, #tpu.memory_space<smem>>
    %eq3A = arith.constant 1 : i32
    %eq3A_48 = arith.cmpi eq, %get3A_47, %eq3A : i32
    %eq3A_49 = arith.constant 0 : i32
    %eq3A_50 = arith.cmpi eq, %arg1, %eq3A_49 : i32
    %and3A_51 = arith.andi %eq3A_48, %eq3A_50 : i1
    %convert_element_type3A_52 = arith.extui %and3A_51 : i1 to i32
    %cond3A = arith.constant 0 : i32
    %cond3A_53 = arith.cmpi ne, %convert_element_type3A_52, %cond3A : i32
    scf.if %cond3A_53 {
      %swap3A = arith.constant 0 : index
      %swap3A_58 = arith.constant 0 : index
      %swap3A_59 = vector.load %arg10[%swap3A, %swap3A_58] : memref<256x2048xf32, #tpu.memory_space<vmem>>, vector<256x2048xf32>
      tpu.vector_store %arg10[%swap3A, %swap3A_58], %dot_general3A_45 {strides = array<i32>} : memref<256x2048xf32, #tpu.memory_space<vmem>>, vector<256x2048xf32>,
    } else {
    }
    %not3A = arith.constant true
    %not3A_54 = arith.xori %and3A_51, %not3A : i1
    %convert_element_type3A_55 = arith.extui %not3A_54 : i1 to i32
    %cond3A_56 = arith.constant 0 : i32
    %cond3A_57 = arith.cmpi ne, %convert_element_type3A_55, %cond3A_56 : i32
    scf.if %cond3A_57 {
      %get3A_58 = arith.constant 0 : index
      %get3A_59 = arith.constant 0 : index
      %get3A_60 = vector.load %arg10[%get3A_58, %get3A_59] : memref<256x2048xf32, #tpu.memory_space<vmem>>, vector<256x2048xf32>
      %add3A_61 = arith.addf %get3A_60, %dot_general3A_45 : vector<256x2048xf32>
      %swap3A = arith.constant 0 : index
      %swap3A_62 = arith.constant 0 : index
      %swap3A_63 = vector.load %arg10[%swap3A, %swap3A_62] : memref<256x2048xf32, #tpu.memory_space<vmem>>, vector<256x2048xf32>
      tpu.vector_store %arg10[%swap3A, %swap3A_62], %add3A_61 {strides = array<i32>} : memref<256x2048xf32, #tpu.memory_space<vmem>>, vector<256x2048xf32>,
    } else {
    }
    return
  }
  func.func @transform_0(%arg0: i32, %arg1: i32, %arg2: memref<15xi32, #tpu.memory_space<smem>>, %arg3: memref<15xi32, #tpu.memory_space<smem>>, %arg4: memref<15xi32, #tpu.memory_space<smem>>, %arg5: memref<10xi32, #tpu.memory_space<smem>>) -> (i32, i32) {
    %get3A = arith.index_cast %arg0 : i32 to index
    %get3A_0 = memref.load %arg2[%get3A] : memref<15xi32, #tpu.memory_space<smem>>
    %c0_i32 = arith.constant 0 : i32
    %c0_i32_1 = arith.constant 0 : i32
    return %get3A_0, %c0_i32 : i32, i32
  }
  func.func @transform_1(%arg0: i32, %arg1: i32, %arg2: memref<15xi32, #tpu.memory_space<smem>>, %arg3: memref<15xi32, #tpu.memory_space<smem>>, %arg4: memref<15xi32, #tpu.memory_space<smem>>, %arg5: memref<10xi32, #tpu.memory_space<smem>>) -> (i32, i32, i32) {
    %get3A = arith.index_cast %arg0 : i32 to index
    %get3A_0 = memref.load %arg3[%get3A] : memref<15xi32, #tpu.memory_space<smem>>
    %min3A = arith.constant 7 : i32
    %min3A_1 = arith.minsi %get3A_0, %min3A : i32
    %c0_i32 = arith.constant 0 : i32
    %c0_i32_2 = arith.constant 0 : i32
    return %min3A_1, %c0_i32, %arg1 : i32, i32, i32
  }
  func.func @transform_2(%arg0: i32, %arg1: i32, %arg2: memref<15xi32, #tpu.memory_space<smem>>, %arg3: memref<15xi32, #tpu.memory_space<smem>>, %arg4: memref<15xi32, #tpu.memory_space<smem>>, %arg5: memref<10xi32, #tpu.memory_space<smem>>) -> (i32, i32, i32) {
    %get3A = arith.index_cast %arg0 : i32 to index
    %get3A_0 = memref.load %arg3[%get3A] : memref<15xi32, #tpu.memory_space<smem>>
    %min3A = arith.constant 7 : i32
    %min3A_1 = arith.minsi %get3A_0, %min3A : i32
    %add3A = arith.constant 4 : i32
    %add3A_2 = arith.addi %arg1, %add3A : i32
    %c0_i32 = arith.constant 0 : i32
    %c0_i32_3 = arith.constant 0 : i32
    return %min3A_1, %c0_i32, %add3A_2 : i32, i32, i32
  }
  func.func @transform_3(%arg0: i32, %arg1: i32, %arg2: memref<15xi32, #tpu.memory_space<smem>>, %arg3: memref<15xi32, #tpu.memory_space<smem>>, %arg4: memref<15xi32, #tpu.memory_space<smem>>, %arg5: memref<10xi32, #tpu.memory_space<smem>>) -> (i32, i32, i32) {
    %get3A = arith.index_cast %arg0 : i32 to index
    %get3A_0 = memref.load %arg3[%get3A] : memref<15xi32, #tpu.memory_space<smem>>
    %min3A = arith.constant 7 : i32
    %min3A_1 = arith.minsi %get3A_0, %min3A : i32
    %c0_i32 = arith.constant 0 : i32
    %c0_i32_2 = arith.constant 0 : i32
    return %min3A_1, %arg1, %c0_i32 : i32, i32, i32
  }
  func.func @transform_4(%arg0: i32, %arg1: i32, %arg2: memref<15xi32, #tpu.memory_space<smem>>, %arg3: memref<15xi32, #tpu.memory_space<smem>>, %arg4: memref<15xi32, #tpu.memory_space<smem>>, %arg5: memref<10xi32, #tpu.memory_space<smem>>) -> (i32, i32) {
    %get3A = arith.index_cast %arg0 : i32 to index
    %get3A_0 = memref.load %arg2[%get3A] : memref<15xi32, #tpu.memory_space<smem>>
    %c0_i32 = arith.constant 0 : i32
    %c0_i32_1 = arith.constant 0 : i32
    return %get3A_0, %c0_i32 : i32, i32
  }
}

module attributes {stable_mosaic.version = 14 : i64} {
  func.func @_shared_down_body(%arg0: i32, %arg1: memref<256x2048xbf16, #tpu.memory_space<vmem>>, %arg2: memref<2048x2048xf32, #tpu.memory_space<vmem>>, %arg3: memref<256x2048xf32, #tpu.memory_space<vmem>>, %arg4: memref<256x2048xf32, #tpu.memory_space<vmem>>, %arg5: memref<2048x2048xbf16, #tpu.memory_space<vmem>>) attributes {dimension_semantics = [#tpu.dimension_semantics<arbitrary>], iteration_bounds = array<i64: 8>, scalar_prefetch = 0 : i64, scratch_operands = 1 : i64, tpu.core_type = #tpu.core_type<tc>, window_params = [{transform_indices = @transform_0, window_bounds = array<i64: 256, 2048>}, {pipeline_mode = #tpu.pipeline_mode<synchronous>, transform_indices = @transform_1, window_bounds = array<i64: 2048, 2048>}, {transform_indices = @transform_2, window_bounds = array<i64: 256, 2048>}, {transform_indices = @transform_3, window_bounds = array<i64: 256, 2048>}]} {
    %eq3A = arith.constant 0 : i32
    %eq3A_0 = arith.cmpi eq, %arg0, %eq3A : i32
    %convert_element_type3A = arith.extui %eq3A_0 : i1 to i32
    %cond3A = arith.constant 0 : i32
    %cond3A_1 = arith.cmpi ne, %convert_element_type3A, %cond3A : i32
    scf.if %cond3A_1 {
      %get3A_13 = arith.constant 0 : index
      %get3A_14 = arith.constant 0 : index
      %get3A_15 = vector.load %arg2[%get3A_13, %get3A_14] : memref<2048x2048xf32, #tpu.memory_space<vmem>>, vector<2048x2048xf32>
      %convert_element_type3A_16 = arith.truncf %get3A_15 : vector<2048x2048xf32> to vector<2048x2048xbf16>
      %swap3A_17 = arith.constant 0 : index
      %swap3A_18 = arith.constant 0 : index
      %swap3A_19 = vector.load %arg5[%swap3A_17, %swap3A_18] : memref<2048x2048xbf16, #tpu.memory_space<vmem>>, vector<2048x2048xbf16>
      tpu.vector_store %arg5[%swap3A_17, %swap3A_18], %convert_element_type3A_16 {strides = array<i32>} : memref<2048x2048xbf16, #tpu.memory_space<vmem>>, vector<2048x2048xbf16>,
    } else {
    }
    %get3A = arith.constant 0 : index
    %get3A_2 = arith.constant 0 : index
    %get3A_3 = vector.load %arg3[%get3A, %get3A_2] : memref<256x2048xf32, #tpu.memory_space<vmem>>, vector<256x2048xf32>
    %get3A_4 = arith.constant 0 : index
    %get3A_5 = arith.constant 0 : index
    %get3A_6 = vector.load %arg1[%get3A_4, %get3A_5] : memref<256x2048xbf16, #tpu.memory_space<vmem>>, vector<256x2048xbf16>
    %get3A_7 = arith.constant 0 : index
    %get3A_8 = arith.constant 0 : index
    %get3A_9 = vector.load %arg5[%get3A_7, %get3A_8] : memref<2048x2048xbf16, #tpu.memory_space<vmem>>, vector<2048x2048xbf16>
    %dot_general3A = arith.constant dense<0.000000e+00> : vector<256x2048xf32>
    %dot_general3A_10 = tpu.matmul %get3A_6, %get3A_9, %dot_general3A {dimension_numbers = #tpu.dot_dimension_numbers<[1], [1], [0], [0], [0, 0, 1, 0], [], []>, transpose_lhs_hint = false} : vector<256x2048xbf16>, vector<2048x2048xbf16>, vector<256x2048xf32> -> vector<256x2048xf32>
    %add3A = arith.addf %get3A_3, %dot_general3A_10 : vector<256x2048xf32>
    %swap3A = arith.constant 0 : index
    %swap3A_11 = arith.constant 0 : index
    %swap3A_12 = vector.load %arg4[%swap3A, %swap3A_11] : memref<256x2048xf32, #tpu.memory_space<vmem>>, vector<256x2048xf32>
    tpu.vector_store %arg4[%swap3A, %swap3A_11], %add3A {strides = array<i32>} : memref<256x2048xf32, #tpu.memory_space<vmem>>, vector<256x2048xf32>,
    return
  }
  func.func @transform_0(%arg0: i32) -> (i32, i32) {
    %c0_i32 = arith.constant 0 : i32
    %c0_i32_0 = arith.constant 0 : i32
    return %arg0, %c0_i32 : i32, i32
  }
  func.func @transform_1(%arg0: i32) -> (i32, i32) {
    %c0_i32 = arith.constant 0 : i32
    %c0_i32_0 = arith.constant 0 : i32
    %c0_i32_1 = arith.constant 0 : i32
    return %c0_i32, %c0_i32_0 : i32, i32
  }
  func.func @transform_2(%arg0: i32) -> (i32, i32) {
    %c0_i32 = arith.constant 0 : i32
    %c0_i32_0 = arith.constant 0 : i32
    return %arg0, %c0_i32 : i32, i32
  }
  func.func @transform_3(%arg0: i32) -> (i32, i32) {
    %c0_i32 = arith.constant 0 : i32
    %c0_i32_0 = arith.constant 0 : i32
    return %arg0, %c0_i32 : i32, i32
  }
}

</mosaic_0001>

<sc_bundles>
// kernel: gather_offload_async_start.1
scs
__scs_entry_jumppad:
0x0: {  	(pc) =	sbr.rel $0x88, $3  }
0x1: {  	(tag) =	ssettag $0x0;
	lr =	simm.s32 $0x1  }
0x2: {  	[smem:$0x3F9A] =	sst lr;
	_ =	strace $0xD0000000  }
0x3: {  	_ = 	snop  }
0x4: {  	_ = 	snop  }
0x5: {  	_ = 	snop  }
0x6: {  	_ = 	snop  }
0x7: {  	_ = 	snop  }
__scs_overlays_trampoline_lowered:
0x8: {  	[smem:$0x3FA9] =	sst s0  }
0x9: {  	[smem:$0x3FAA] =	sst s1  }
0xa: {  	[smem:$0x3FAB] =	sst s2  }
0xb: {  	[smem:$0x3FAC] =	sst s3  }
0xc: {  	[smem:$0x3FAD] =	sst s4  }
0xd: {  	[smem:$0x3FAE] =	sst s5  }
0xe: {  	[smem:$0x3FAF] =	sst s6  }
0xf: {  	[smem:$0x3FB0] =	sst s7  }
0x10: {  	[smem:$0x3FB1] =	sst s8  }
0x11: {  	[smem:$0x3FB2] =	sst s9;
	s0 =	simm.s32 @!p0 $0x0  }
0x12: {  	s1 =	sld [smem:$0x3F98];
	s0 =	simm.s32 @p0 $0x1  }
0x13: {  	[smem:$0x3FB3] =	sst s0;
	s0 =	simm.s32 @!p1 $0x0  }
0x14: {  	s2 =	sld [smem:$0x3F97];
	s0 =	simm.s32 @p1 $0x1  }
0x15: {  	[smem:$0x3FB4] =	sst s0;
	s0 =	simm.s32 @!p2 $0x0  }
0x16: {  	s3 =	sld [smem:$0x3FDB];
	s0 =	simm.s32 @p2 $0x1  }
0x17: {  	s4 =	simm.s32 $0x1BF5;
	[smem:$0x3FB6] =	sst s0  }
0x18: {  	s0 =	sld [smem:$0x3F99];
	_ =	swait.ge [sflag:s4], $0x0  }
0x19: {  	s7 =	sld [smem:$0x3F9A]  }
0x1a: {  	s8 =	sadd.s32 $0xFFFFE003, lr  }
0x1b: {  	s9 =	sadd.s32 $0xFFFFFEF7, lr;
	s5 =	simm.s32 $0xFFFFFFFF;
	p2 =	slt.u32 s8, $0xFFFFF086  }
0x1c: {  	p1 =	slt.u32 s9, $0xF7A;
	s5 =	simm.s32 @!p2 $0x0  }
0x1d: {  	s5 =	simm.s32 @p1 $0x1;
	p0 =	seq.s32 s7, s2  }
0x1e: {  	s7 =	smul.u32 @!p0 $0xF7A, s2;
	p2 =	seq.s32 @!p0 s5, $0x0  }
0x1f: {  	s9 =	smul.u32 $0xF7A, s1;
	s8 =	simm.s32 @!p0 $0x1BF5;
	p2 =	por !p2, p0  }
0x20: {  	[sflag:s8] =	ssyncset.s32 @!p0 $0xFFFFF086;
	s6 =	sadd.s32 @!p0 s3, s7;
	s7 =	simm.s32 @!p0 $0x108  }
0x21: {  	s3 =	sadd.s32 s3, s9;
	s6 =	sadd.s32 @!p0 $0x88, s6;
	s7 =	simm.s32 @p2 $0x1082  }
0x22: {  	[simem:s7], [sflag:s8] =	dma.local @!p0 [hbm:s6], $0xF7A  }
0x23: {  	s9 =	sor.u32 $0xD0000000, s2;
	s6 =	simm.s32 $0x108;
	_ =	swait.ge @!p0 [sflag:s8], $0x0  }
0x24: {  	s3 =	sadd.s32 $0x88, s3;
	s6 =	simm.s32 @!p1 $0x1082;
	[sflag:s4] =	ssyncset.s32 $0xFFFFF086  }
0x25: {  	[simem:s6], [sflag:s4] =	dma.local [hbm:s3], $0xF7A  }
0x26: {  	[smem:$0x3F9A] =	sst s1;
	(tag) =	ssettag s2;
	_ =	strace s9  }
0x27: {  	s1 =	sld [smem:$0x3FAA]  }
0x28: {  	s2 =	sld [smem:$0x3FAB]  }
0x29: {  	s4 =	sld [smem:$0x3FAD]  }
0x2a: {  	p0 =	seq.s32 s5, $0x0;
	s5 =	sld [smem:$0x3FAE]  }
0x2b: {  	s6 =	sld [smem:$0x3FAF]  }
0x2c: {  	s7 =	sld [smem:$0x3FB0]  }
0x2d: {  	s3 =	simm.s32 $0x108;
	s8 =	sld [smem:$0x3FB1]  }
0x2e: {  	s3 =	simm.s32 @!p0 $0x1082;
	s9 =	sld [smem:$0x3FB2]  }
0x2f: {  	lr =	sadd.s32 s0, s3;
	s0 =	sld [smem:$0x3FA9]  }
0x30: {  	s3 =	sld [smem:$0x3FAC]  }
0x31: {  	[smem:$0x3FB5] =	sst s10  }
0x32: {  	s10 =	sld [smem:$0x3FB3];
	_ =	sdelay $0x3  }
0x33: {  	p0 =	seq.s32 s10, $0x1;
	s10 =	sld [smem:$0x3FB5];
	_ =	sdelay $0x3  }
0x34: {  	[smem:$0x3FB5] =	sst s10  }
0x35: {  	s10 =	sld [smem:$0x3FB4];
	_ =	sdelay $0x3  }
0x36: {  	p1 =	seq.s32 s10, $0x1;
	s10 =	sld [smem:$0x3FB5];
	_ =	sdelay $0x3  }
0x37: {  	[smem:$0x3FB5] =	sst s10  }
0x38: {  	s10 =	sld [smem:$0x3FB6]  }
0x39: {  	_ = 	snop;
	(pc) =	sbr.ind lr, $3  }
0x3a: {  	_ = 	snop  }
0x3b: {  	_ = 	snop  }
0x3c: {  	p2 =	seq.s32 s10, $0x1;
	s10 =	sld [smem:$0x3FB5]  }
0x3d: {  	_ =	shalt  }
0x3e: {  	_ =	shalt  }
0x3f: {  	_ =	shalt  }
0x40: {  	_ =	shalt  }
0x41: {  	_ =	shalt  }
0x42: {  	_ =	shalt  }
0x43: {  	_ =	shalt  }
0x44: {  	_ =	shalt  }
0x45: {  	_ =	shalt  }
0x46: {  	_ =	shalt  }
0x47: {  	_ =	shalt  }
0x48: {  	_ =	shalt  }
0x49: {  	_ =	shalt  }
0x4a: {  	_ =	shalt  }
0x4b: {  	_ =	shalt  }
0x4c: {  	_ =	shalt  }
0x4d: {  	_ =	shalt  }
0x4e: {  	_ =	shalt  }
0x4f: {  	_ =	shalt  }
0x50: {  	_ =	shalt  }
0x51: {  	_ =	shalt  }
0x52: {  	_ =	shalt  }
0x53: {  	_ =	shalt  }
0x54: {  	_ =	shalt  }
0x55: {  	_ =	shalt  }
0x56: {  	_ =	shalt  }
0x57: {  	_ =	shalt  }
0x58: {  	_ =	shalt  }
0x59: {  	_ =	shalt  }
0x5a: {  	_ =	shalt  }
0x5b: {  	_ =	shalt  }
0x5c: {  	_ =	shalt  }
0x5d: {  	_ =	shalt  }
0x5e: {  	_ =	shalt  }
0x5f: {  	_ =	shalt  }
0x60: {  	_ =	shalt  }
0x61: {  	_ =	shalt  }
0x62: {  	_ =	shalt  }
0x63: {  	_ =	shalt  }
0x64: {  	_ =	shalt  }
0x65: {  	_ =	shalt  }
0x66: {  	_ =	shalt  }
0x67: {  	_ =	shalt  }
0x68: {  	_ =	shalt  }
0x69: {  	_ =	shalt  }
0x6a: {  	_ =	shalt  }
0x6b: {  	_ =	shalt  }
0x6c: {  	_ =	shalt  }
0x6d: {  	_ =	shalt  }
0x6e: {  	_ =	shalt  }
0x6f: {  	_ =	shalt  }
0x70: {  	_ =	shalt  }
0x71: {  	_ =	shalt  }
0x72: {  	_ =	shalt  }
0x73: {  	_ =	shalt  }
0x74: {  	_ =	shalt  }
0x75: {  	_ =	shalt  }
0x76: {  	_ =	shalt  }
0x77: {  	_ =	shalt  }
0x78: {  	_ =	shalt  }
0x79: {  	_ =	shalt  }
0x7a: {  	_ =	shalt  }
0x7b: {  	_ =	shalt  }
0x7c: {  	_ =	shalt  }
0x7d: {  	_ =	shalt  }
0x7e: {  	_ =	shalt  }
0x7f: {  	_ =	shalt  }
0x80: {  	_ =	shalt  }
0x81: {  	_ =	shalt  }
0x82: {  	_ =	shalt  }
0x83: {  	_ =	shalt  }
0x84: {  	_ =	shalt  }
0x85: {  	_ =	shalt  }
0x86: {  	_ =	shalt  }
0x87: {  	_ =	shalt  }
.Lfunc_end0:
.L_simem_size_0:
called_computation.2_lowered:
.L_overlay_start_0:
0x88: {  	s2 =	sld [smem:$0x3FD9]  }
0x89: {  	s3 =	sld [smem:$0x3FFE];
	_ =	sdelay $0x1  }
0x8a: {  	s1 =	srdreg.scid  }
0x8b: {  	s0 =	sand.u32 $0x1, s1  }
0x8c: {  	s17 =	sshll.u32 s0, $0xA;
	s2 =	sadd.s32 s3, s2  }
0x8d: {  	s2 =	sadd.s32 s2, s17  }
0x8e: {  	[smem:$0x3FC1] =	sst s2  }
0x8f: {  	_ = 	snop  }
0x90: {  	(tm) =	ssettm $0x1  }
0x91: {  	s18 =	sld [smem:$0x3FFB];
	_ =	sdelay $0x3  }
0x92: {  	_ =	strace s18  }
0x93: {  	s2 =	sld [smem:$0x3FFC];
	_ =	sdelay $0x3  }
0x94: {  	_ =	strace s2  }
0x95: {  	s2 =	sld [smem:$0x3FFD];
	_ =	sdelay $0x3  }
0x96: {  	_ =	strace s2  }
0x97: {  	_ =	strace $0x8FFFFFFF  }
0x98: {  	s19 =	sld [smem:$0x3FDB];
	_ =	sdelay $0x1  }
0x99: {  	s20 =	simm.s32 $_scs_section_size  }
0x9a: {  	s4 =	simm.s32 $_size__tile_overlayer_lowered;
	s5 =	simm.s32 $_tile_overlayer_lowered  }
0x9b: {  	s6 =	simm.s32 $0x1BFF;
	s21 =	sshll.u32 s5, $0x1;
	s3 =	sadd.s32 s20, s19  }
0x9c: {  	s22 =	simm.s32 $0x0;
	s4 =	sshll.u32 s4, $0x1;
	s5 =	sadd.s32 s21, s3  }
0x9d: {  	[timem:s22], [sflag:s6] =	dma.local [hbm:s5], s4  }
0x9e: {  	_ =	swait.ge [sflag:s6], s4  }
0x9f: {  	s4 =	ssub.s32 $0x0, s4;
	[sflag:s6] =	ssyncset.done $0x0  }
0xa0: {  	[sflag:s6] =	ssyncadd.s32 s4;
	_ =	sdelay $0x1  }
0xa1: {  	s23 =	simm.s32 $0x1B8B  }
0xa2: {  	_ =	swait.ge [sflag:s23], $0x1  }
0xa3: {  	[sflag:s23] =	ssyncset.done $0x0  }
0xa4: {  	[sflag:s23] =	ssyncadd.s32 $0xFFFFFFFF  }
0xa5: {  	s4 =	sld [smem:$0x0]  }
0xa6: {  	s5 =	sand.u32 $0xFFFFFFFE, s1  }
0xa7: {  	p0 =	sne.s32 s1, s5  }
0xa8: {  	s5 =	sshll.u32 @p0 s5, $0xE  }
0xa9: {  	s5 =	sadd.s32 @p0 $0x11B8D, s5;
	s6 =	sshll.u32 @p0 s4, $0x11  }
0xaa: {  	s5 =	sor.u32 @p0 s6, s5  }
0xab: {  	[sflag:s5] =	ssyncadd.remote.s32 @p0 $0x1;
	_ =	sdelay $0x1  }
0xac: {  	s5 =	simm.s32 @p0 $0x1B8D  }
0xad: {  	_ =	swait.eq @p0 [sflag:s5], $0x1  }
0xae: {  	[sflag:s5] =	ssyncadd.s32 @p0 $0xFFFFFFFF  }
0xaf: {  	s6 =	sshll.u32 @!p0 s1, $0xE  }
0xb0: {  	s6 =	sor.u32 @!p0 $0x4000, s6;
	s5 =	simm.s32 @!p0 $0x1B8D  }
0xb1: {  	s4 =	sshll.u32 @!p0 s4, $0x11;
	s6 =	sadd.s32 @!p0 $0x11B8D, s6;
	_ =	swait.eq @!p0 [sflag:s5], $0x1  }
0xb2: {  	s4 =	sor.u32 @!p0 s4, s6;
	[sflag:s5] =	ssyncadd.s32 @!p0 $0xFFFFFFFF  }
0xb3: {  	s25 =	simm.s32 $0x1B8E;
	s24 =	sld [smem:$0x3FFE];
	[sflag:s4] =	ssyncadd.remote.s32 @!p0 $0x1  }
0xb4: {  	s26 =	simm.s32 $execute0_lowered;
	[smem:$0x3FD2] =	sst s25  }
0xb5: {  	s5 =	sshll.u32 s26, $0x1;
	_ =	strace $0x80000049;
	[dreg:$0x1] =	wrdreg $0xFFFFFFFF  }
0xb6: {  	s28 =	simm.s32 $_size_execute0_lowered;
	s3 =	sadd.s32 s3, s5;
	[dreg:$0x0] =	wrdreg $0x0  }
0xb7: {  	s5 =	sshll.u32 s28, $0x1;
	[dreg:$0x2] =	wrdreg s3  }
0xb8: {  	[dreg:$0x3] =	wrdreg s5  }
0xb9: {  	[dreg:$0x4] =	wrdreg $0xC0  }
0xba: {  	_ =	task [dreg:s22], $0x5FFFF  }
0xbb: {  	[dreg:$0x1] =	wrdreg $0xFFFFFFFF  }
0xbc: {  	[dreg:$0x0] =	wrdreg $0x60  }
0xbd: {  	[dreg:$0x2] =	wrdreg s24  }
0xbe: {  	[dreg:$0x3] =	wrdreg $0xB  }
0xbf: {  	_ =	task.clear_ibuf [dreg:s22], $0x4FFFF;
	_ =	strace $0x90000049  }
0xc0: {  	s29 =	simm.s32 $0xB;
	_ =	strace $0x8000004B  }
0xc1: {  	_ =	swait.ge [sflag:s29], $0x1  }
0xc2: {  	[sflag:s29] =	ssyncadd.s32 $0xFFFFFFFF  }
0xc3: {  	_ =	strace $0x9000004B  }
0xc4: {  	_ =	sfence  }
0xc5: {  	s30 =	sld [smem:$0x0];
	_ =	sdelay $0x2  }
0xc6: {  	s31 =	sshll.u32 s1, $0xD;
	s1 =	sshrl.u32 s1, $0x2  }
0xc7: {  	s4 =	sand.u32 $0x4000, s31;
	s1 =	sadd.s32 s1, s30  }
0xc8: {  	s0 =	sor.u32 s4, s0;
	s1 =	sshll.u32 s1, $0x11  }
0xc9: {  	s0 =	sor.u32 s1, s0  }
0xca: {  	s0 =	sadd.s32 $0x8F2B, s0  }
0xcb: {  	[sflag:s0] =	ssyncadd.remote.s32 $0x1  }
0xcc: {  	_ =	sfence.sel $0xFFFF  }
0xcd: {  	[dreg:$0x0] =	wrdreg $0xFFFFFFFF;
	(pc) =	sbr.abs _section_cstart, $3  }
0xce: {  	[dreg:$0x1] =	wrdreg $0xFFFFFFFF  }
0xcf: {  	_ =	task.clear_ibuf [dreg:s22], $0x2FFFF;
	_ =	strace $0x9FFFFFFF  }
0xd0: {  	(tm) =	ssettm $0x7FFFFFFF  }
0xd1: {  	_ =	shalt  }
tec
execute0_lowered:
.L_overlay_start_1:
0x0: {  	(tag) =	ssettag $0x1  }
0x1: {  	s1 =	srdreg.scid  }
0x2: {  	s0 =	stileid.u32;
	s2 =	rddreg [dreg:$0x0];
	s1 =	sshll.u32 s1, $0x5  }
0x3: {  	s6 =	simm.s32 $0x1;
	s3 =	sshll.u32 s0, $0x6;
	s1 =	sand.u32 $0x20, s1  }
0x4: {  	s30 =	simm.s32 $0x2;
	s31 =	simm.s32 $0x3;
	s3 =	sor.u32 s3, s1  }
0x5: {  	s11 =	simm.s32 $0x0;
	s8 =	simm.s32 $0x0;
	s5 =	ssub.s32 $0x800, s3  }
0x6: {  	s9 =	simm.s32 $0x0;
	s4 =	sadd.s32 $0x400, s2;
	s7 =	sand.u32 $0x3E0, s5  }
0x7: {  	s1 =	rddreg [dreg:$0x1];
	_ =	strace $0x8000004A;
	p0 =	sne.s32 s7, $0x0  }
0x8: {  	[sflag:s6] =	ssyncpa.u1 $0x0;
	s5 =	sshrl.u32 s5, $0xA;
	s6 =	simm.s32 @!p0 $0x0  }
0x9: {  	s10 =	smov.u32 s3;
	[sflag:s30] =	ssyncpa.u1 $0x0;
	s5 =	sadd.s32 s6, s5  }
0xa: {  	[sflag:s31] =	ssyncpa.u1 $0x0;
	s6 =	sadd.s32 $0xC00, s2;
	s7 =	sadd.s32 $0x1, s5  }
.LBB2_1:
0xb: {  	p0 =	sge.u32 s9, s5  }
0xc: {  	s31 =	sadd.s32 $0xFFFFFFFF, s9;
	s12 =	sxor.u32 @!p0 $0xFFFFFFFF, s8;
	s13 =	sshrl.u32 @!p0 s10, $0x3  }
0xd: {  	s14 =	sand.u32 @!p0 $0x7, s10;
	s12 =	sand.u32 @!p0 $0x20, s12;
	s13 =	sadd.s32 @!p0 s4, s13  }
0xe: {  	[tilespmem:s12], [sflag:$0x2] =	stream.linear.gather @!p0 [hbm4b:s13+s14], $0x20, $0x38;
	[tilespmem:$0x80] =	vst v63  }
0xf: {  	p0 =	sge.u32 s31, s5  }
0x10: {  	s12 =	simm.s32 @!p0 $0x2  }
0x11: {  	_ =	swait.ge @!p0 [sflag:s12], $0x20  }
0x12: {  	[sflag:s12] =	ssyncset.done @!p0 $0x0  }
0x13: {  	[sflag:s12] =	ssyncadd.s32 @!p0 $0xFFFFFFE0;
	s12 =	sand.u32 @!p0 $0x20, s8  }
0x14: {  	(ifvalue) =	ssetifvalue @!p0 $0x7FFFFFFF;
	v0 =	vld.msk @!p0 [tilespmem:s12+$0x0 ss:$0x1], $0xffff;
	_ =	sdelay $0x4  }
0x15: {  	vm0 =	vgt.s32 @!p0 v0, $0x0  }
0x16: {  	v0 =	vnsel @!p0 vm0, $0x0, v0  }
0x17: {  	v0 =	vmin.u32 @!p0 v0, $0x7FF;
	_ =	sdelay $0x2  }
0x18: {  	s14 =	simm.s32 @!p0 $0x0  }
0x19: {  	s13 =	sor.u32 @!p0 $0x40, s12;
	(ifvalue) =	ssetifvalue @!p0 $0x7FFFFFFF;
	s15 =	sor.u32 @!p0 $0x10, s12;
	vm0 =	vmmov @!p0 $0xffff  }
0x1a: {  	[tilespmem:s13], [sflag:$0x1] =	stream.indirect_vreg.gather @!p0 [hbm4b:s2+s14], $0x1, v0, vm0, $0x4038;
	[tilespmem:$0x80] =	vst v63  }
0x1b: {  	v0 =	vld.msk @!p0 [tilespmem:s15+$0x0 ss:$0x1], $0xffff;
	_ =	sdelay $0x4  }
0x1c: {  	vm1 =	vgt.s32 @!p0 v0, $0x0  }
0x1d: {  	v0 =	vnsel @!p0 vm1, $0x0, v0  }
0x1e: {  	v0 =	vmin.u32 @!p0 v0, $0x7FF;
	_ =	sdelay $0x3  }
0x1f: {  	s12 =	sor.u32 @!p0 $0x50, s12;
	(ifvalue) =	ssetifvalue @!p0 $0x7FFFFFFF  }
0x20: {  	[tilespmem:s12], [sflag:$0x1] =	stream.indirect_vreg.gather @!p0 [hbm4b:s2+s14], $0x1, v0, vm0, $0x4038;
	[tilespmem:$0x80] =	vst v63  }
0x21: {  	s12 =	simm.s32 @!p0 $0x1  }
0x22: {  	_ =	swait.ge @!p0 [sflag:s12], $0x20  }
0x23: {  	s14 =	sshrl.u32 @!p0 s11, $0x3;
	[sflag:s12] =	ssyncset.done @!p0 $0x0  }
0x24: {  	s11 =	sand.u32 @!p0 $0x7, s11;
	[sflag:s12] =	ssyncadd.s32 @!p0 $0xFFFFFFE0;
	s12 =	sadd.s32 @!p0 s6, s14  }
0x25: {  	[hbm4b:s12+s11] =	stream.linear.scatter @!p0 [tilespmem:s13], [sflag:$0x3], $0x20, $0x38;
	[tilespmem:$0x80] =	vst v63  }
0x26: {  	s13 =	sadd.s32 $0x400, s10  }
0x27: {  	p1 =	sgt.s32 s13, $0x7FF  }
0x28: {  	s13 =	smov.u32 @p1 s3;
	p1 =	sne.s32 s9, s7  }
.Ltmp0:
0x29: {  	p0 =	slt.u32 s9, $0x2;
	(pc) =	sbr.rel @p1 .LBB2_1-.Ltmp0, $4  }
0x2a: {  	s12 =	simm.s32 @!p0 $0x3  }
0x2b: {  	_ =	swait.ge @!p0 [sflag:s12], $0x20  }
0x2c: {  	s8 =	sadd.s32 $0x20, s8;
	s11 =	smov.u32 s10;
	[sflag:s12] =	ssyncset.done @!p0 $0x0  }
0x2d: {  	s9 =	sadd.s32 $0x1, s9;
	s10 =	smov.u32 s13;
	[sflag:s12] =	ssyncadd.s32 @!p0 $0xFFFFFFE0  }
0x2e: {  	_ =	sfence.sel $0x180000  }
0x2f: {  	s2 =	simm.s32 $0x2;
	[bflag:$0x0] =	sbarrier.arrive $0xFFFF  }
0x30: {  	s30 =	simm.s32 $0x3;
	[sflag:s2] =	ssyncpa.u1 $0x1  }
0x31: {  	s31 =	simm.s32 $0x1;
	[sflag:s30] =	ssyncpa.u1 $0x1  }
0x32: {  	[sflag:s31] =	ssyncpa.u1 $0x1  }
0x33: {  	p0 =	sne.s32 s0, $0x0;
	_ =	strace $0x9000004A  }
0x34: {  	s0 =	sadd.s32 @!p0 $0x100000, s1;
	[bflag:$0x2] =	sbarrier.arrive $0xFFFF  }
0x35: {  	[sflag:s0] =	ssyncadd.tile.s32 @!p0 $0x1;
	_ =	shalt  }
.Lfunc_end2:
_tile_overlayer_lowered:
.L_overlay_start_2:
0x36: {  	(tag) =	ssettag $0x2  }
0x37: {  	s0 =	rddreg [dreg:$0x0];
	s2 =	stileid.u32  }
0x38: {  	s1 =	rddreg [dreg:$0x1];
	p0 =	sne.s32 s2, $0x0  }
0x39: {  	s3 =	rddreg [dreg:$0x2];
	[bflag:$0x3] =	sbarrier.arrive $0xFFFF;
	s2 =	simm.s32 @!p0 $0x1C01  }
0x3a: {  	[timem:s3], [sflag:s2] =	dma.local @!p0 [hbm:s0], s1  }
0x3b: {  	s0 =	simm.s32 @!p0 $0x1  }
0x3c: {  	_ =	swait.ge @!p0 [sflag:s0], s1  }
0x3d: {  	s1 =	ssub.s32 @!p0 $0x0, s1;
	[sflag:s0] =	ssyncset.done @!p0 $0x0  }
0x3e: {  	[sflag:s0] =	ssyncadd.s32 @!p0 s1  }
0x3f: {  	[bflag:$0x3] =	sbarrier.arrive $0xFFFF  }
0x40: {  	_ =	shalt  }

// kernel: gather_offload_async_start
scs
__scs_entry_jumppad:
0x0: {  	(pc) =	sbr.rel $0x88, $3  }
0x1: {  	(tag) =	ssettag $0x0;
	lr =	simm.s32 $0x1  }
0x2: {  	[smem:$0x3F9A] =	sst lr;
	_ =	strace $0xD0000000  }
0x3: {  	_ = 	snop  }
0x4: {  	_ = 	snop  }
0x5: {  	_ = 	snop  }
0x6: {  	_ = 	snop  }
0x7: {  	_ = 	snop  }
__scs_overlays_trampoline_lowered:
0x8: {  	[smem:$0x3FA9] =	sst s0  }
0x9: {  	[smem:$0x3FAA] =	sst s1  }
0xa: {  	[smem:$0x3FAB] =	sst s2  }
0xb: {  	[smem:$0x3FAC] =	sst s3  }
0xc: {  	[smem:$0x3FAD] =	sst s4  }
0xd: {  	[smem:$0x3FAE] =	sst s5  }
0xe: {  	[smem:$0x3FAF] =	sst s6  }
0xf: {  	[smem:$0x3FB0] =	sst s7  }
0x10: {  	[smem:$0x3FB1] =	sst s8  }
0x11: {  	[smem:$0x3FB2] =	sst s9;
	s0 =	simm.s32 @!p0 $0x0  }
0x12: {  	s1 =	sld [smem:$0x3F98];
	s0 =	simm.s32 @p0 $0x1  }
0x13: {  	[smem:$0x3FB3] =	sst s0;
	s0 =	simm.s32 @!p1 $0x0  }
0x14: {  	s2 =	sld [smem:$0x3F97];
	s0 =	simm.s32 @p1 $0x1  }
0x15: {  	[smem:$0x3FB4] =	sst s0;
	s0 =	simm.s32 @!p2 $0x0  }
0x16: {  	s3 =	sld [smem:$0x3FDB];
	s0 =	simm.s32 @p2 $0x1  }
0x17: {  	s4 =	simm.s32 $0x1BF5;
	[smem:$0x3FB6] =	sst s0  }
0x18: {  	s0 =	sld [smem:$0x3F99];
	_ =	swait.ge [sflag:s4], $0x0  }
0x19: {  	s7 =	sld [smem:$0x3F9A]  }
0x1a: {  	s8 =	sadd.s32 $0xFFFFE003, lr  }
0x1b: {  	s9 =	sadd.s32 $0xFFFFFEF7, lr;
	s5 =	simm.s32 $0xFFFFFFFF;
	p2 =	slt.u32 s8, $0xFFFFF086  }
0x1c: {  	p1 =	slt.u32 s9, $0xF7A;
	s5 =	simm.s32 @!p2 $0x0  }
0x1d: {  	s5 =	simm.s32 @p1 $0x1;
	p0 =	seq.s32 s7, s2  }
0x1e: {  	s7 =	smul.u32 @!p0 $0xF7A, s2;
	p2 =	seq.s32 @!p0 s5, $0x0  }
0x1f: {  	s9 =	smul.u32 $0xF7A, s1;
	s8 =	simm.s32 @!p0 $0x1BF5;
	p2 =	por !p2, p0  }
0x20: {  	[sflag:s8] =	ssyncset.s32 @!p0 $0xFFFFF086;
	s6 =	sadd.s32 @!p0 s3, s7;
	s7 =	simm.s32 @!p0 $0x108  }
0x21: {  	s3 =	sadd.s32 s3, s9;
	s6 =	sadd.s32 @!p0 $0x88, s6;
	s7 =	simm.s32 @p2 $0x1082  }
0x22: {  	[simem:s7], [sflag:s8] =	dma.local @!p0 [hbm:s6], $0xF7A  }
0x23: {  	s9 =	sor.u32 $0xD0000000, s2;
	s6 =	simm.s32 $0x108;
	_ =	swait.ge @!p0 [sflag:s8], $0x0  }
0x24: {  	s3 =	sadd.s32 $0x88, s3;
	s6 =	simm.s32 @!p1 $0x1082;
	[sflag:s4] =	ssyncset.s32 $0xFFFFF086  }
0x25: {  	[simem:s6], [sflag:s4] =	dma.local [hbm:s3], $0xF7A  }
0x26: {  	[smem:$0x3F9A] =	sst s1;
	(tag) =	ssettag s2;
	_ =	strace s9  }
0x27: {  	s1 =	sld [smem:$0x3FAA]  }
0x28: {  	s2 =	sld [smem:$0x3FAB]  }
0x29: {  	s4 =	sld [smem:$0x3FAD]  }
0x2a: {  	p0 =	seq.s32 s5, $0x0;
	s5 =	sld [smem:$0x3FAE]  }
0x2b: {  	s6 =	sld [smem:$0x3FAF]  }
0x2c: {  	s7 =	sld [smem:$0x3FB0]  }
0x2d: {  	s3 =	simm.s32 $0x108;
	s8 =	sld [smem:$0x3FB1]  }
0x2e: {  	s3 =	simm.s32 @!p0 $0x1082;
	s9 =	sld [smem:$0x3FB2]  }
0x2f: {  	lr =	sadd.s32 s0, s3;
	s0 =	sld [smem:$0x3FA9]  }
0x30: {  	s3 =	sld [smem:$0x3FAC]  }
0x31: {  	[smem:$0x3FB5] =	sst s10  }
0x32: {  	s10 =	sld [smem:$0x3FB3];
	_ =	sdelay $0x3  }
0x33: {  	p0 =	seq.s32 s10, $0x1;
	s10 =	sld [smem:$0x3FB5];
	_ =	sdelay $0x3  }
0x34: {  	[smem:$0x3FB5] =	sst s10  }
0x35: {  	s10 =	sld [smem:$0x3FB4];
	_ =	sdelay $0x3  }
0x36: {  	p1 =	seq.s32 s10, $0x1;
	s10 =	sld [smem:$0x3FB5];
	_ =	sdelay $0x3  }
0x37: {  	[smem:$0x3FB5] =	sst s10  }
0x38: {  	s10 =	sld [smem:$0x3FB6]  }
0x39: {  	_ = 	snop;
	(pc) =	sbr.ind lr, $3  }
0x3a: {  	_ = 	snop  }
0x3b: {  	_ = 	snop  }
0x3c: {  	p2 =	seq.s32 s10, $0x1;
	s10 =	sld [smem:$0x3FB5]  }
0x3d: {  	_ =	shalt  }
0x3e: {  	_ =	shalt  }
0x3f: {  	_ =	shalt  }
0x40: {  	_ =	shalt  }
0x41: {  	_ =	shalt  }
0x42: {  	_ =	shalt  }
0x43: {  	_ =	shalt  }
0x44: {  	_ =	shalt  }
0x45: {  	_ =	shalt  }
0x46: {  	_ =	shalt  }
0x47: {  	_ =	shalt  }
0x48: {  	_ =	shalt  }
0x49: {  	_ =	shalt  }
0x4a: {  	_ =	shalt  }
0x4b: {  	_ =	shalt  }
0x4c: {  	_ =	shalt  }
0x4d: {  	_ =	shalt  }
0x4e: {  	_ =	shalt  }
0x4f: {  	_ =	shalt  }
0x50: {  	_ =	shalt  }
0x51: {  	_ =	shalt  }
0x52: {  	_ =	shalt  }
0x53: {  	_ =	shalt  }
0x54: {  	_ =	shalt  }
0x55: {  	_ =	shalt  }
0x56: {  	_ =	shalt  }
0x57: {  	_ =	shalt  }
0x58: {  	_ =	shalt  }
0x59: {  	_ =	shalt  }
0x5a: {  	_ =	shalt  }
0x5b: {  	_ =	shalt  }
0x5c: {  	_ =	shalt  }
0x5d: {  	_ =	shalt  }
0x5e: {  	_ =	shalt  }
0x5f: {  	_ =	shalt  }
0x60: {  	_ =	shalt  }
0x61: {  	_ =	shalt  }
0x62: {  	_ =	shalt  }
0x63: {  	_ =	shalt  }
0x64: {  	_ =	shalt  }
0x65: {  	_ =	shalt  }
0x66: {  	_ =	shalt  }
0x67: {  	_ =	shalt  }
0x68: {  	_ =	shalt  }
0x69: {  	_ =	shalt  }
0x6a: {  	_ =	shalt  }
0x6b: {  	_ =	shalt  }
0x6c: {  	_ =	shalt  }
0x6d: {  	_ =	shalt  }
0x6e: {  	_ =	shalt  }
0x6f: {  	_ =	shalt  }
0x70: {  	_ =	shalt  }
0x71: {  	_ =	shalt  }
0x72: {  	_ =	shalt  }
0x73: {  	_ =	shalt  }
0x74: {  	_ =	shalt  }
0x75: {  	_ =	shalt  }
0x76: {  	_ =	shalt  }
0x77: {  	_ =	shalt  }
0x78: {  	_ =	shalt  }
0x79: {  	_ =	shalt  }
0x7a: {  	_ =	shalt  }
0x7b: {  	_ =	shalt  }
0x7c: {  	_ =	shalt  }
0x7d: {  	_ =	shalt  }
0x7e: {  	_ =	shalt  }
0x7f: {  	_ =	shalt  }
0x80: {  	_ =	shalt  }
0x81: {  	_ =	shalt  }
0x82: {  	_ =	shalt  }
0x83: {  	_ =	shalt  }
0x84: {  	_ =	shalt  }
0x85: {  	_ =	shalt  }
0x86: {  	_ =	shalt  }
0x87: {  	_ =	shalt  }
.Lfunc_end0:
.L_simem_size_0:
called_computation.1_lowered:
.L_overlay_start_0:
0x88: {  	s2 =	sld [smem:$0x3FD9]  }
0x89: {  	s3 =	sld [smem:$0x3FFE];
	_ =	sdelay $0x1  }
0x8a: {  	s1 =	srdreg.scid  }
0x8b: {  	s0 =	sand.u32 $0x1, s1  }
0x8c: {  	s15 =	sshll.u32 s0, $0xA;
	s2 =	sadd.s32 s3, s2  }
0x8d: {  	s2 =	sadd.s32 s2, s15  }
0x8e: {  	[smem:$0x3FC1] =	sst s2  }
0x8f: {  	_ = 	snop  }
0x90: {  	s16 =	sld [smem:$0x3FD0];
	_ =	sdelay $0x2  }
0x91: {  	s4 =	simm.s32 $0xC;
	s5 =	simm.s32 $0x10;
	s2 =	sld [smem:$0x3FC9]  }
0x92: {  	[smem:s5], [sflag:s4] =	dma.local [hbm:s16], $0x1  }
0x93: {  	_ =	swait.eq [sflag:s4], $0x1  }
0x94: {  	[sflag:s4] =	ssyncset.done $0x0  }
0x95: {  	[sflag:s4] =	ssyncadd.s32 $0xFFFFFFFF  }
0x96: {  	s17 =	sld [smem:$0x10];
	(tm) =	ssettm $0x1  }
0x97: {  	s18 =	sld [smem:$0x3FFB];
	_ =	sdelay $0x3  }
0x98: {  	_ =	strace s18  }
0x99: {  	s3 =	sld [smem:$0x3FFC];
	_ =	sdelay $0x3  }
0x9a: {  	_ =	strace s3  }
0x9b: {  	s3 =	sld [smem:$0x3FFD];
	_ =	sdelay $0x3  }
0x9c: {  	_ =	strace s3  }
0x9d: {  	_ =	strace $0x8FFFFFFF  }
0x9e: {  	s19 =	sld [smem:$0x3FDB];
	_ =	sdelay $0x1  }
0x9f: {  	s20 =	simm.s32 $_scs_section_size  }
0xa0: {  	s6 =	simm.s32 $_size__tile_overlayer_lowered;
	s7 =	simm.s32 $_tile_overlayer_lowered  }
0xa1: {  	s8 =	simm.s32 $0x1BFF;
	s21 =	sshll.u32 s7, $0x1;
	s5 =	sadd.s32 s20, s19  }
0xa2: {  	s22 =	simm.s32 $0x0;
	s6 =	sshll.u32 s6, $0x1;
	s7 =	sadd.s32 s21, s5  }
0xa3: {  	[timem:s22], [sflag:s8] =	dma.local [hbm:s7], s6  }
0xa4: {  	_ =	swait.ge [sflag:s8], s6  }
0xa5: {  	s6 =	ssub.s32 $0x0, s6;
	[sflag:s8] =	ssyncset.done $0x0  }
0xa6: {  	[sflag:s8] =	ssyncadd.s32 s6;
	_ =	sdelay $0x1  }
0xa7: {  	s23 =	simm.s32 $0x1B8B  }
0xa8: {  	_ =	swait.ge [sflag:s23], $0x1  }
0xa9: {  	[sflag:s23] =	ssyncset.done $0x0  }
0xaa: {  	[sflag:s23] =	ssyncadd.s32 $0xFFFFFFFF  }
0xab: {  	s6 =	sld [smem:$0x0]  }
0xac: {  	s7 =	sand.u32 $0xFFFFFFFE, s1  }
0xad: {  	p0 =	sne.s32 s1, s7  }
0xae: {  	s7 =	sshll.u32 @p0 s7, $0xE  }
0xaf: {  	s7 =	sadd.s32 @p0 $0x11B8D, s7;
	s8 =	sshll.u32 @p0 s6, $0x11  }
0xb0: {  	s7 =	sor.u32 @p0 s8, s7  }
0xb1: {  	[sflag:s7] =	ssyncadd.remote.s32 @p0 $0x1;
	_ =	sdelay $0x1  }
0xb2: {  	s7 =	simm.s32 @p0 $0x1B8D  }
0xb3: {  	_ =	swait.eq @p0 [sflag:s7], $0x1  }
0xb4: {  	[sflag:s7] =	ssyncadd.s32 @p0 $0xFFFFFFFF  }
0xb5: {  	s8 =	sshll.u32 @!p0 s1, $0xE  }
0xb6: {  	s8 =	sor.u32 @!p0 $0x4000, s8;
	s7 =	simm.s32 @!p0 $0x1B8D  }
0xb7: {  	s6 =	sshll.u32 @!p0 s6, $0x11;
	s8 =	sadd.s32 @!p0 $0x11B8D, s8;
	_ =	swait.eq @!p0 [sflag:s7], $0x1  }
0xb8: {  	s6 =	sor.u32 @!p0 s6, s8;
	[sflag:s7] =	ssyncadd.s32 @!p0 $0xFFFFFFFF  }
0xb9: {  	s25 =	simm.s32 $0x1B8E;
	s24 =	sld [smem:$0x3FFE];
	[sflag:s6] =	ssyncadd.remote.s32 @!p0 $0x1  }
0xba: {  	s26 =	simm.s32 $execute0_lowered;
	[smem:$0x3FD2] =	sst s25  }
0xbb: {  	s7 =	sshll.u32 s26, $0x1;
	_ =	strace $0x8000004C;
	[dreg:$0x1] =	wrdreg $0xFFFFFFFF  }
0xbc: {  	s28 =	simm.s32 $_size_execute0_lowered;
	s5 =	sadd.s32 s5, s7;
	[dreg:$0x0] =	wrdreg $0x0  }
0xbd: {  	s7 =	sshll.u32 s28, $0x1;
	[dreg:$0x2] =	wrdreg s5  }
0xbe: {  	[dreg:$0x3] =	wrdreg s7  }
0xbf: {  	[dreg:$0x4] =	wrdreg $0xC0  }
0xc0: {  	_ =	task [dreg:s22], $0x5FFFF  }
0xc1: {  	[dreg:$0x1] =	wrdreg $0xFFFFFFFF  }
0xc2: {  	[dreg:$0x0] =	wrdreg $0x60  }
0xc3: {  	[dreg:$0x2] =	wrdreg s2  }
0xc4: {  	[dreg:$0x3] =	wrdreg s24  }
0xc5: {  	[dreg:$0x4] =	wrdreg s17  }
0xc6: {  	[dreg:$0x5] =	wrdreg $0xA  }
0xc7: {  	_ =	task.clear_ibuf [dreg:s22], $0x6FFFF;
	_ =	strace $0x9000004C  }
0xc8: {  	s29 =	simm.s32 $0xA;
	_ =	strace $0x8000004E  }
0xc9: {  	_ =	swait.ge [sflag:s29], $0x1  }
0xca: {  	[sflag:s29] =	ssyncadd.s32 $0xFFFFFFFF  }
0xcb: {  	_ =	strace $0x9000004E  }
0xcc: {  	_ =	sfence  }
0xcd: {  	s30 =	sld [smem:$0x0];
	_ =	sdelay $0x2  }
0xce: {  	s31 =	sshll.u32 s1, $0xD;
	s1 =	sshrl.u32 s1, $0x2  }
0xcf: {  	s4 =	sand.u32 $0x4000, s31;
	s1 =	sadd.s32 s1, s30  }
0xd0: {  	s0 =	sor.u32 s4, s0;
	s1 =	sshll.u32 s1, $0x11  }
0xd1: {  	s0 =	sor.u32 s1, s0  }
0xd2: {  	s0 =	sadd.s32 $0x8F2B, s0  }
0xd3: {  	[sflag:s0] =	ssyncadd.remote.s32 $0x1  }
0xd4: {  	_ =	sfence.sel $0xFFFF  }
0xd5: {  	[dreg:$0x0] =	wrdreg $0xFFFFFFFF;
	(pc) =	sbr.abs _section_cstart, $3  }
0xd6: {  	[dreg:$0x1] =	wrdreg $0xFFFFFFFF  }
0xd7: {  	_ =	task.clear_ibuf [dreg:s22], $0x2FFFF;
	_ =	strace $0x9FFFFFFF  }
0xd8: {  	(tm) =	ssettm $0x7FFFFFFF  }
0xd9: {  	_ =	shalt  }
tec
execute0_lowered:
.L_overlay_start_1:
0x0: {  	(tag) =	ssettag $0x1  }
0x1: {  	s2 =	rddreg [dreg:$0x0]  }
0x2: {  	s7 =	rddreg [dreg:$0x1]  }
0x3: {  	s3 =	rddreg [dreg:$0x2]  }
0x4: {  	s0 =	rddreg [dreg:$0x3];
	s1 =	srdreg.scid;
	_ =	strace $0x8000004D  }
0x5: {  	s4 =	simm.s32 $0x1;
	s9 =	simm.s32 $0x3;
	s5 =	sshll.u32 s1, $0x4  }
.Ltmp0:
0x6: {  	s1 =	stileid.u32;
	s5 =	sand.u32 $0x10, s5;
	(pc) =	sbr.rel .LBB2_1-.Ltmp0, $4  }
0x7: {  	s11 =	simm.s32 $0x0;
	p0 =	por $0x0, $0x0;
	s6 =	sor.u32 s1, s5  }
0x8: {  	[sflag:s4] =	ssyncpa.u1 $0x0;
	s5 =	simm.s32 $0x2;
	s6 =	sshll.u32 s6, $0x6  }
0x9: {  	s7 =	sadd.s32 $0x400, s7;
	[sflag:s5] =	ssyncpa.u1 $0x0;
	s8 =	sadd.s32 $0x40, s6  }
0xa: {  	vm0 =	vmmov $0xff;
	vm1 =	vcmask $0x3F20;
	[sflag:s9] =	ssyncpa.u1 $0x0;
	s10 =	smov.u32 s6;
	s9 =	simm.s32 $0x0  }
.LBB2_5:
0xb: {  	p1 =	slt.u32 s9, $0x2;
	s11 =	sadd.s32 $0x10, s10  }
0xc: {  	s13 =	smov.u32 s6;
	s9 =	sadd.s32 $0x1, s9;
	p2 =	slt.s32 s11, s8  }
0xd: {  	s13 =	smov.u32 @p2 s11;
	p2 =	sne.s32 s9, $0x6  }
.Ltmp1:
0xe: {  	_ = 	snop;
	(pc) =	sbr.rel @!p2 .LBB2_6-.Ltmp1, $4  }
0xf: {  	s12 =	simm.s32 @!p1 $0x3  }
0x10: {  	_ =	swait.ge @!p1 [sflag:s12], $0x8000  }
0x11: {  	p0 =	por !p0, !p0;
	[sflag:s12] =	ssyncset.done @!p1 $0x0  }
0x12: {  	s11 =	smov.u32 s10;
	s10 =	smov.u32 s13;
	[sflag:s12] =	ssyncadd.s32 @!p1 $0xFFFF8000  }
.LBB2_1:
0x13: {  	p1 =	sgt.u32 s9, $0x3  }
0x14: {  	s12 =	sxor.u32 @!p1 $0xFFFFFFFF, s9  }
0x15: {  	s13 =	sshrl.u32 @!p1 s10, $0x3;
	s12 =	sshll.u32 @!p1 s12, $0x4  }
0x16: {  	s14 =	sand.u32 @!p1 $0x7, s10;
	s13 =	sadd.s32 @!p1 s7, s13;
	s12 =	sand.u32 @!p1 $0x10, s12  }
0x17: {  	[tilespmem:s12], [sflag:$0x2] =	stream.linear.gather @!p1 [hbm4b:s13+s14], $0x10, $0x38;
	[tilespmem:$0x10020] =	vst v63  }
0x18: {  	p1 =	seq.s32 s9, $0x0  }
0x19: {  	p2 =	seq.s32 @!p1 s9, $0x5  }
0x1a: {  	p1 =	por p1, p2  }
.Ltmp2:
0x1b: {  	_ = 	snop;
	(pc) =	sbr.rel @p1 .LBB2_5-.Ltmp2, $1  }
0x1c: {  	_ =	sdelay $0x3  }
0x1d: {  	_ =	swait.ge [sflag:s5], $0x10  }
0x1e: {  	s12 =	sand.u32 $0x1, s9;
	[sflag:s5] =	ssyncset.done $0x0  }
0x1f: {  	s13 =	sshll.u32 s12, $0x4;
	[sflag:s5] =	ssyncadd.s32 $0xFFFFFFF0  }
0x20: {  	v0 =	vld.msk [tilespmem:s13+$0x0 ss:$0x1], $0xffff;
	_ =	sdelay $0x4  }
0x21: {  	vm2 =	vgt.s32 v0, $0x0  }
0x22: {  	v0 =	vnsel vm2, $0x0, v0  }
0x23: {  	v0 =	vmin.u32 v0, $0x7FF  }
0x24: {  	v1 =	vshll.u32 v0, $0x8;
	v0 =	vshll.u32 v0, $0x4  }
0x25: {  	v1 =	vand.u32 $0x7F800, v1;
	v0 =	vand.u32 $0x70, v0  }
0x26: {  	s13 =	simm.s32 $0x1;
	v0 =	vor.u32 v0, v1  }
0x27: {  	s13 =	simm.s32 @!p0 $0x0  }
0x28: {  	s13 =	sshll.u32 s13, $0xF  }
0x29: {  	s14 =	sor.u32 $0x20, s13  }
0x2a: {  	s12 =	sshll.u32 s12, $0xF;
	s16 =	sadd.s32 $0x0, s14  }
0x2b: {  	[tilespmem:s16], [sflag:$0x1] =	stream.indirect_vreg.gather [hbm:s2], $0x80, v0, vm0, $0x38;
	[tilespmem:$0x10020] =	vst v63  }
0x2c: {  	s15 =	simm.s32 $0x1000;
	s13 =	sor.u32 $0x20, s12;
	v1 =	vadd.s32 $0x80, v0;
	s16 =	sadd.s32 $0x4000, s16  }
.LBB2_3:
0x2d: {  	[tilespmem:s16], [sflag:$0x1] =	stream.indirect_vreg.gather [hbm:s2], $0x80, v0, vm1, $0x38;
	[tilespmem:$0x10020] =	vst v63  }
0x2e: {  	v0 =	vmov v1;
	s16 =	smov.u32 s15;
	p1 =	sne.s32 s15, $0xF000  }
.Ltmp3:
0x2f: {  	s15 =	sadd.s32 $0x1000, s15;
	(pc) =	sbr.rel @p1 .LBB2_3-.Ltmp3, $4  }
0x30: {  	s16 =	sshra.s32 s16, $0x2  }
0x31: {  	s16 =	sadd.s32 s16, s14  }
0x32: {  	[tilespmem:s16], [sflag:$0x1] =	stream.indirect_vreg.gather [hbm:s2], $0x80, v1, vm0, $0x38;
	[tilespmem:$0x10020] =	vst v63  }
0x33: {  	s16 =	sadd.s32 $0x4000, s16;
	v1 =	vadd.s32 $0x80, v1  }
0x34: {  	_ =	sdelay $0x3  }
0x35: {  	[tilespmem:s16], [sflag:$0x1] =	stream.indirect_vreg.gather [hbm:s2], $0x80, v0, vm1, $0x38;
	[tilespmem:$0x10020] =	vst v63  }
0x36: {  	s14 =	sshll.u32 s11, $0x4;
	s31 =	sshll.u32 s11, $0x8  }
0x37: {  	_ =	swait.ge [sflag:s4], $0x8000;
	s14 =	sand.u32 $0x70, s14;
	s11 =	sand.u32 $0xFFFFF800, s31  }
.Ltmp4:
0x38: {  	[sflag:s4] =	ssyncset.done $0x0;
	s14 =	sadd.s32 s3, s14;
	(pc) =	sbr.rel .LBB2_5-.Ltmp4, $4  }
0x39: {  	[sflag:s4] =	ssyncadd.s32 $0xFFFF8000;
	s11 =	sadd.s32 s11, s14  }
0x3a: {  	[hbm:s11] =	stream.linear.scatter [tilespmem:s13], [sflag:$0x3], $0x4000, $0x38;
	[tilespmem:$0x10020] =	vst v63  }
0x3b: {  	s12 =	sadd.s32 $0x4020, s12;
	s11 =	sadd.s32 $0x800, s11  }
0x3c: {  	[hbm:s11] =	stream.linear.scatter [tilespmem:s12], [sflag:$0x3], $0x4000, $0x38;
	[tilespmem:$0x10020] =	vst v63  }
.LBB2_6:
0x3d: {  	_ =	sfence.sel $0x180000  }
0x3e: {  	s2 =	simm.s32 $0x2;
	[bflag:$0x0] =	sbarrier.arrive $0xFFFF  }
0x3f: {  	s30 =	simm.s32 $0x3;
	[sflag:s2] =	ssyncpa.u1 $0x1  }
0x40: {  	s31 =	simm.s32 $0x1;
	[sflag:s30] =	ssyncpa.u1 $0x1  }
0x41: {  	[sflag:s31] =	ssyncpa.u1 $0x1  }
0x42: {  	p0 =	sne.s32 s1, $0x0;
	_ =	strace $0x9000004D  }
0x43: {  	s0 =	sadd.s32 @!p0 $0x100000, s0;
	[bflag:$0x2] =	sbarrier.arrive $0xFFFF  }
0x44: {  	[sflag:s0] =	ssyncadd.tile.s32 @!p0 $0x1;
	_ =	shalt  }
.Lfunc_end2:
_tile_overlayer_lowered:
.L_overlay_start_2:
0x45: {  	(tag) =	ssettag $0x2  }
0x46: {  	s0 =	rddreg [dreg:$0x0];
	s2 =	stileid.u32  }
0x47: {  	s1 =	rddreg [dreg:$0x1];
	p0 =	sne.s32 s2, $0x0  }
0x48: {  	s3 =	rddreg [dreg:$0x2];
	[bflag:$0x3] =	sbarrier.arrive $0xFFFF;
	s2 =	simm.s32 @!p0 $0x1C01  }
0x49: {  	[timem:s3], [sflag:s2] =	dma.local @!p0 [hbm:s0], s1  }
0x4a: {  	s0 =	simm.s32 @!p0 $0x1  }
0x4b: {  	_ =	swait.ge @!p0 [sflag:s0], s1  }
0x4c: {  	s1 =	ssub.s32 @!p0 $0x0, s1;
	[sflag:s0] =	ssyncset.done @!p0 $0x0  }
0x4d: {  	[sflag:s0] =	ssyncadd.s32 @!p0 s1  }
0x4e: {  	[bflag:$0x3] =	sbarrier.arrive $0xFFFF  }
0x4f: {  	_ =	shalt  }

// kernel: scatter_offload_async_start
scs
__scs_entry_jumppad:
0x0: {  	(pc) =	sbr.rel $0x88, $3  }
0x1: {  	(tag) =	ssettag $0x0;
	lr =	simm.s32 $0x1  }
0x2: {  	[smem:$0x3F9A] =	sst lr;
	_ =	strace $0xD0000000  }
0x3: {  	_ = 	snop  }
0x4: {  	_ = 	snop  }
0x5: {  	_ = 	snop  }
0x6: {  	_ = 	snop  }
0x7: {  	_ = 	snop  }
__scs_overlays_trampoline_lowered:
0x8: {  	[smem:$0x3FA9] =	sst s0  }
0x9: {  	[smem:$0x3FAA] =	sst s1  }
0xa: {  	[smem:$0x3FAB] =	sst s2  }
0xb: {  	[smem:$0x3FAC] =	sst s3  }
0xc: {  	[smem:$0x3FAD] =	sst s4  }
0xd: {  	[smem:$0x3FAE] =	sst s5  }
0xe: {  	[smem:$0x3FAF] =	sst s6  }
0xf: {  	[smem:$0x3FB0] =	sst s7  }
0x10: {  	[smem:$0x3FB1] =	sst s8  }
0x11: {  	[smem:$0x3FB2] =	sst s9;
	s0 =	simm.s32 @!p0 $0x0  }
0x12: {  	s1 =	sld [smem:$0x3F98];
	s0 =	simm.s32 @p0 $0x1  }
0x13: {  	[smem:$0x3FB3] =	sst s0;
	s0 =	simm.s32 @!p1 $0x0  }
0x14: {  	s2 =	sld [smem:$0x3F97];
	s0 =	simm.s32 @p1 $0x1  }
0x15: {  	[smem:$0x3FB4] =	sst s0;
	s0 =	simm.s32 @!p2 $0x0  }
0x16: {  	s3 =	sld [smem:$0x3FDB];
	s0 =	simm.s32 @p2 $0x1  }
0x17: {  	s4 =	simm.s32 $0x1BF5;
	[smem:$0x3FB6] =	sst s0  }
0x18: {  	s0 =	sld [smem:$0x3F99];
	_ =	swait.ge [sflag:s4], $0x0  }
0x19: {  	s7 =	sld [smem:$0x3F9A]  }
0x1a: {  	s8 =	sadd.s32 $0xFFFFE003, lr  }
0x1b: {  	s9 =	sadd.s32 $0xFFFFFEF7, lr;
	s5 =	simm.s32 $0xFFFFFFFF;
	p2 =	slt.u32 s8, $0xFFFFF086  }
0x1c: {  	p1 =	slt.u32 s9, $0xF7A;
	s5 =	simm.s32 @!p2 $0x0  }
0x1d: {  	s5 =	simm.s32 @p1 $0x1;
	p0 =	seq.s32 s7, s2  }
0x1e: {  	s7 =	smul.u32 @!p0 $0xF7A, s2;
	p2 =	seq.s32 @!p0 s5, $0x0  }
0x1f: {  	s9 =	smul.u32 $0xF7A, s1;
	s8 =	simm.s32 @!p0 $0x1BF5;
	p2 =	por !p2, p0  }
0x20: {  	[sflag:s8] =	ssyncset.s32 @!p0 $0xFFFFF086;
	s6 =	sadd.s32 @!p0 s3, s7;
	s7 =	simm.s32 @!p0 $0x108  }
0x21: {  	s3 =	sadd.s32 s3, s9;
	s6 =	sadd.s32 @!p0 $0x88, s6;
	s7 =	simm.s32 @p2 $0x1082  }
0x22: {  	[simem:s7], [sflag:s8] =	dma.local @!p0 [hbm:s6], $0xF7A  }
0x23: {  	s9 =	sor.u32 $0xD0000000, s2;
	s6 =	simm.s32 $0x108;
	_ =	swait.ge @!p0 [sflag:s8], $0x0  }
0x24: {  	s3 =	sadd.s32 $0x88, s3;
	s6 =	simm.s32 @!p1 $0x1082;
	[sflag:s4] =	ssyncset.s32 $0xFFFFF086  }
0x25: {  	[simem:s6], [sflag:s4] =	dma.local [hbm:s3], $0xF7A  }
0x26: {  	[smem:$0x3F9A] =	sst s1;
	(tag) =	ssettag s2;
	_ =	strace s9  }
0x27: {  	s1 =	sld [smem:$0x3FAA]  }
0x28: {  	s2 =	sld [smem:$0x3FAB]  }
0x29: {  	s4 =	sld [smem:$0x3FAD]  }
0x2a: {  	p0 =	seq.s32 s5, $0x0;
	s5 =	sld [smem:$0x3FAE]  }
0x2b: {  	s6 =	sld [smem:$0x3FAF]  }
0x2c: {  	s7 =	sld [smem:$0x3FB0]  }
0x2d: {  	s3 =	simm.s32 $0x108;
	s8 =	sld [smem:$0x3FB1]  }
0x2e: {  	s3 =	simm.s32 @!p0 $0x1082;
	s9 =	sld [smem:$0x3FB2]  }
0x2f: {  	lr =	sadd.s32 s0, s3;
	s0 =	sld [smem:$0x3FA9]  }
0x30: {  	s3 =	sld [smem:$0x3FAC]  }
0x31: {  	[smem:$0x3FB5] =	sst s10  }
0x32: {  	s10 =	sld [smem:$0x3FB3];
	_ =	sdelay $0x3  }
0x33: {  	p0 =	seq.s32 s10, $0x1;
	s10 =	sld [smem:$0x3FB5];
	_ =	sdelay $0x3  }
0x34: {  	[smem:$0x3FB5] =	sst s10  }
0x35: {  	s10 =	sld [smem:$0x3FB4];
	_ =	sdelay $0x3  }
0x36: {  	p1 =	seq.s32 s10, $0x1;
	s10 =	sld [smem:$0x3FB5];
	_ =	sdelay $0x3  }
0x37: {  	[smem:$0x3FB5] =	sst s10  }
0x38: {  	s10 =	sld [smem:$0x3FB6]  }
0x39: {  	_ = 	snop;
	(pc) =	sbr.ind lr, $3  }
0x3a: {  	_ = 	snop  }
0x3b: {  	_ = 	snop  }
0x3c: {  	p2 =	seq.s32 s10, $0x1;
	s10 =	sld [smem:$0x3FB5]  }
0x3d: {  	_ =	shalt  }
0x3e: {  	_ =	shalt  }
0x3f: {  	_ =	shalt  }
0x40: {  	_ =	shalt  }
0x41: {  	_ =	shalt  }
0x42: {  	_ =	shalt  }
0x43: {  	_ =	shalt  }
0x44: {  	_ =	shalt  }
0x45: {  	_ =	shalt  }
0x46: {  	_ =	shalt  }
0x47: {  	_ =	shalt  }
0x48: {  	_ =	shalt  }
0x49: {  	_ =	shalt  }
0x4a: {  	_ =	shalt  }
0x4b: {  	_ =	shalt  }
0x4c: {  	_ =	shalt  }
0x4d: {  	_ =	shalt  }
0x4e: {  	_ =	shalt  }
0x4f: {  	_ =	shalt  }
0x50: {  	_ =	shalt  }
0x51: {  	_ =	shalt  }
0x52: {  	_ =	shalt  }
0x53: {  	_ =	shalt  }
0x54: {  	_ =	shalt  }
0x55: {  	_ =	shalt  }
0x56: {  	_ =	shalt  }
0x57: {  	_ =	shalt  }
0x58: {  	_ =	shalt  }
0x59: {  	_ =	shalt  }
0x5a: {  	_ =	shalt  }
0x5b: {  	_ =	shalt  }
0x5c: {  	_ =	shalt  }
0x5d: {  	_ =	shalt  }
0x5e: {  	_ =	shalt  }
0x5f: {  	_ =	shalt  }
0x60: {  	_ =	shalt  }
0x61: {  	_ =	shalt  }
0x62: {  	_ =	shalt  }
0x63: {  	_ =	shalt  }
0x64: {  	_ =	shalt  }
0x65: {  	_ =	shalt  }
0x66: {  	_ =	shalt  }
0x67: {  	_ =	shalt  }
0x68: {  	_ =	shalt  }
0x69: {  	_ =	shalt  }
0x6a: {  	_ =	shalt  }
0x6b: {  	_ =	shalt  }
0x6c: {  	_ =	shalt  }
0x6d: {  	_ =	shalt  }
0x6e: {  	_ =	shalt  }
0x6f: {  	_ =	shalt  }
0x70: {  	_ =	shalt  }
0x71: {  	_ =	shalt  }
0x72: {  	_ =	shalt  }
0x73: {  	_ =	shalt  }
0x74: {  	_ =	shalt  }
0x75: {  	_ =	shalt  }
0x76: {  	_ =	shalt  }
0x77: {  	_ =	shalt  }
0x78: {  	_ =	shalt  }
0x79: {  	_ =	shalt  }
0x7a: {  	_ =	shalt  }
0x7b: {  	_ =	shalt  }
0x7c: {  	_ =	shalt  }
0x7d: {  	_ =	shalt  }
0x7e: {  	_ =	shalt  }
0x7f: {  	_ =	shalt  }
0x80: {  	_ =	shalt  }
0x81: {  	_ =	shalt  }
0x82: {  	_ =	shalt  }
0x83: {  	_ =	shalt  }
0x84: {  	_ =	shalt  }
0x85: {  	_ =	shalt  }
0x86: {  	_ =	shalt  }
0x87: {  	_ =	shalt  }
.Lfunc_end0:
.L_simem_size_0:
called_computation_lowered:
.L_overlay_start_0:
0x88: {  	s0 =	sld [smem:$0x3FD9]  }
0x89: {  	s1 =	sld [smem:$0x3FFE];
	_ =	sdelay $0x3  }
0x8a: {  	s0 =	sadd.s32 s1, s0  }
0x8b: {  	[smem:$0x3FC1] =	sst s0  }
0x8c: {  	_ = 	snop  }
0x8d: {  	(tm) =	ssettm $0x1  }
0x8e: {  	s15 =	sld [smem:$0x3FFB];
	_ =	sdelay $0x3  }
0x8f: {  	_ =	strace s15  }
0x90: {  	s0 =	sld [smem:$0x3FFC];
	_ =	sdelay $0x3  }
0x91: {  	_ =	strace s0  }
0x92: {  	s0 =	sld [smem:$0x3FFD];
	_ =	sdelay $0x3  }
0x93: {  	_ =	strace s0  }
0x94: {  	_ =	strace $0x8FFFFFFF  }
0x95: {  	s16 =	sld [smem:$0x3FDB];
	_ =	sdelay $0x1  }
0x96: {  	s17 =	simm.s32 $_scs_section_size  }
0x97: {  	s2 =	simm.s32 $_size__tile_overlayer_lowered;
	s3 =	simm.s32 $_tile_overlayer_lowered  }
0x98: {  	s20 =	simm.s32 $0x1BFF;
	s19 =	sshll.u32 s3, $0x1;
	s0 =	sadd.s32 s17, s16  }
0x99: {  	s4 =	simm.s32 $0x0;
	s18 =	sshll.u32 s2, $0x1;
	s2 =	sadd.s32 s19, s0  }
0x9a: {  	[timem:s4], [sflag:s20] =	dma.local [hbm:s2], s18  }
0x9b: {  	_ =	swait.ge [sflag:s20], s18  }
0x9c: {  	s1 =	ssub.s32 $0x0, s18;
	[sflag:s20] =	ssyncset.done $0x0  }
0x9d: {  	[sflag:s20] =	ssyncadd.s32 s1;
	_ =	sdelay $0x1  }
0x9e: {  	s21 =	simm.s32 $0x1B8B  }
0x9f: {  	_ =	swait.ge [sflag:s21], $0x1  }
0xa0: {  	[sflag:s21] =	ssyncset.done $0x0  }
0xa1: {  	s23 =	simm.s32 $0x1B8E;
	s22 =	sld [smem:$0x3FFE];
	[sflag:s21] =	ssyncadd.s32 $0xFFFFFFFF  }
0xa2: {  	s24 =	simm.s32 $execute0_lowered;
	[smem:$0x3FD2] =	sst s23  }
0xa3: {  	s2 =	sshll.u32 s24, $0x1;
	_ =	strace $0x80000046;
	[dreg:$0x1] =	wrdreg $0xFFFFFFFF  }
0xa4: {  	s25 =	simm.s32 $_size_execute0_lowered;
	s0 =	sadd.s32 s0, s2;
	[dreg:$0x0] =	wrdreg $0x0  }
0xa5: {  	s2 =	sshll.u32 s25, $0x1;
	[dreg:$0x2] =	wrdreg s0  }
0xa6: {  	[dreg:$0x3] =	wrdreg s2  }
0xa7: {  	[dreg:$0x4] =	wrdreg $0xC0  }
0xa8: {  	_ =	task [dreg:s4], $0x5FFFF  }
0xa9: {  	[dreg:$0x1] =	wrdreg $0xFFFFFFFF  }
0xaa: {  	[dreg:$0x0] =	wrdreg $0x60  }
0xab: {  	[dreg:$0x2] =	wrdreg s22  }
0xac: {  	[dreg:$0x3] =	wrdreg $0x9  }
0xad: {  	_ =	task.clear_ibuf [dreg:s4], $0x4FFFF;
	_ =	strace $0x90000046  }
0xae: {  	s26 =	simm.s32 $0x9;
	_ =	strace $0x80000048  }
0xaf: {  	_ =	swait.ge [sflag:s26], $0x1  }
0xb0: {  	[sflag:s26] =	ssyncadd.s32 $0xFFFFFFFF  }
0xb1: {  	_ =	strace $0x90000048  }
0xb2: {  	_ =	sfence  }
0xb3: {  	s28 =	sld [smem:$0x0];
	_ =	sdelay $0x1  }
0xb4: {  	s29 =	srdreg.scid  }
0xb5: {  	s30 =	sshll.u32 s29, $0xD;
	s31 =	sshrl.u32 s29, $0x2  }
0xb6: {  	s1 =	sand.u32 $0x1, s29;
	s2 =	sand.u32 $0x4000, s30;
	s0 =	sadd.s32 s31, s28  }
0xb7: {  	s1 =	sor.u32 s2, s1;
	s0 =	sshll.u32 s0, $0x11  }
0xb8: {  	s0 =	sor.u32 s0, s1  }
0xb9: {  	s0 =	sadd.s32 $0x8F2B, s0  }
0xba: {  	[sflag:s0] =	ssyncadd.remote.s32 $0x1  }
0xbb: {  	_ =	sfence.sel $0xFFFF  }
0xbc: {  	[dreg:$0x0] =	wrdreg $0xFFFFFFFF;
	(pc) =	sbr.abs _section_cstart, $3  }
0xbd: {  	[dreg:$0x1] =	wrdreg $0xFFFFFFFF  }
0xbe: {  	_ =	task.clear_ibuf [dreg:s4], $0x2FFFF;
	_ =	strace $0x9FFFFFFF  }
0xbf: {  	(tm) =	ssettm $0x7FFFFFFF  }
tec
execute0_lowered:
.L_overlay_start_1:
0x0: {  	(tag) =	ssettag $0x1  }
0x1: {  	s4 =	rddreg [dreg:$0x0]  }
0x2: {  	s0 =	rddreg [dreg:$0x1];
	_ =	strace $0x80000047;
	s5 =	stileid.u32  }
0x3: {  	s3 =	simm.s32 $0x3E;
	s1 =	sadd.s32 $0xA00, s4;
	p0 =	sne.s32 s5, $0x0  }
0x4: {  	[sflag:s3] =	ssyncpa.u1 $0x0;
	s6 =	simm.s32 @!p0 $0x1C3E;
	s2 =	simm.s32 @!p0 $0x0  }
0x5: {  	[spmem:s2], [sflag:s6] =	dma.local @!p0 [hbm:s1], $0x10  }
0x6: {  	s6 =	simm.s32 @!p0 $0x3E  }
0x7: {  	_ =	swait.ge @!p0 [sflag:s6], $0x10  }
0x8: {  	[sflag:s6] =	ssyncset.done @!p0 $0x0  }
0x9: {  	s13 =	simm.s32 $0x1;
	[sflag:s6] =	ssyncadd.s32 @!p0 $0xFFFFFFF0  }
0xa: {  	s7 =	simm.s32 $0x2;
	s8 =	simm.s32 $0x0;
	[bflag:$0x0] =	sbarrier.arrive $0xFFFF  }
0xb: {  	s9 =	simm.s32 $0x88;
	s14 =	sadd.s32 $0x200, s4;
	[sflag:s3] =	ssyncpa.u1 $0x1  }
0xc: {  	s4 =	sadd.s32 $0x800, s4;
	s5 =	sshll.u32 s5, $0x4;
	[sflag:s13] =	ssyncpa.u1 $0x0  }
0xd: {  	s6 =	sadd.s32 s14, s5;
	(ifvalue) =	ssetifvalue $0x80;
	[sflag:s7] =	ssyncpa.u1 $0x0  }
0xe: {  	[tilespmem:s9], [sflag:$0x2] =	stream.linear.gather [hbm4b:s6+s8], $0x80, $0x38;
	[tilespmem:$0x208] =	vst v63  }
0xf: {  	s15 =	simm.s32 $0x188;
	s4 =	sadd.s32 s4, s5  }
0x10: {  	[tilespmem:s15], [sflag:$0x2] =	stream.linear.gather [hbm4b:s4+s8], $0x80, $0x38;
	[tilespmem:$0x208] =	vst v63  }
0x11: {  	_ =	swait.ge [sflag:s7], $0x100  }
0x12: {  	[sflag:s7] =	ssyncset.done $0x0  }
0x13: {  	[sflag:s7] =	ssyncadd.s32 $0xFFFFFF00  }
0x14: {  	v0 =	vld.msk [tilespmem:s9+$0x0 ss:$0x1], $0xffff;
	_ =	sdelay $0x4  }
0x15: {  	v0 =	vmin.u32 v0, $0x80;
	_ =	sdelay $0x3  }
0x16: {  	vm0 =	vmmov $0xffff;
	s16 =	simm.s32 $0x98  }
0x17: {  	[spmem:s8] =	stream.indirect_vreg.scatter.add.s32 [tilespmem:s15], [sflag:$0x1], $0x1, v0, vm0, $0x4038;
	[tilespmem:$0x208] =	vst v63  }
0x18: {  	v0 =	vld.msk [tilespmem:s16+$0x0 ss:$0x1], $0xffff;
	_ =	sdelay $0x4  }
0x19: {  	v0 =	vmin.u32 v0, $0x80;
	_ =	sdelay $0x3  }
0x1a: {  	s17 =	simm.s32 $0x198;
	s18 =	simm.s32 $0xA8  }
0x1b: {  	[spmem:s8] =	stream.indirect_vreg.scatter.add.s32 [tilespmem:s17], [sflag:$0x1], $0x1, v0, vm0, $0x4038;
	[tilespmem:$0x208] =	vst v63  }
0x1c: {  	v0 =	vld.msk [tilespmem:s18+$0x0 ss:$0x1], $0xffff;
	_ =	sdelay $0x4  }
0x1d: {  	v0 =	vmin.u32 v0, $0x80;
	_ =	sdelay $0x3  }
0x1e: {  	s19 =	simm.s32 $0x1A8;
	s20 =	simm.s32 $0xB8  }
0x1f: {  	[spmem:s8] =	stream.indirect_vreg.scatter.add.s32 [tilespmem:s19], [sflag:$0x1], $0x1, v0, vm0, $0x4038;
	[tilespmem:$0x208] =	vst v63  }
0x20: {  	v0 =	vld.msk [tilespmem:s20+$0x0 ss:$0x1], $0xffff;
	_ =	sdelay $0x4  }
0x21: {  	v0 =	vmin.u32 v0, $0x80;
	_ =	sdelay $0x3  }
0x22: {  	s21 =	simm.s32 $0x1B8;
	s22 =	simm.s32 $0xC8  }
0x23: {  	[spmem:s8] =	stream.indirect_vreg.scatter.add.s32 [tilespmem:s21], [sflag:$0x1], $0x1, v0, vm0, $0x4038;
	[tilespmem:$0x208] =	vst v63  }
0x24: {  	v0 =	vld.msk [tilespmem:s22+$0x0 ss:$0x1], $0xffff;
	_ =	sdelay $0x4  }
0x25: {  	v0 =	vmin.u32 v0, $0x80;
	_ =	sdelay $0x3  }
0x26: {  	s23 =	simm.s32 $0x1C8;
	s24 =	simm.s32 $0xD8  }
0x27: {  	[spmem:s8] =	stream.indirect_vreg.scatter.add.s32 [tilespmem:s23], [sflag:$0x1], $0x1, v0, vm0, $0x4038;
	[tilespmem:$0x208] =	vst v63  }
0x28: {  	v0 =	vld.msk [tilespmem:s24+$0x0 ss:$0x1], $0xffff;
	_ =	sdelay $0x4  }
0x29: {  	v0 =	vmin.u32 v0, $0x80;
	_ =	sdelay $0x3  }
0x2a: {  	s25 =	simm.s32 $0x1D8;
	s26 =	simm.s32 $0xE8  }
0x2b: {  	[spmem:s8] =	stream.indirect_vreg.scatter.add.s32 [tilespmem:s25], [sflag:$0x1], $0x1, v0, vm0, $0x4038;
	[tilespmem:$0x208] =	vst v63  }
0x2c: {  	v0 =	vld.msk [tilespmem:s26+$0x0 ss:$0x1], $0xffff;
	_ =	sdelay $0x4  }
0x2d: {  	v0 =	vmin.u32 v0, $0x80;
	_ =	sdelay $0x3  }
0x2e: {  	s28 =	simm.s32 $0x1E8;
	s29 =	simm.s32 $0xF8  }
0x2f: {  	[spmem:s8] =	stream.indirect_vreg.scatter.add.s32 [tilespmem:s28], [sflag:$0x1], $0x1, v0, vm0, $0x4038;
	[tilespmem:$0x208] =	vst v63  }
0x30: {  	v0 =	vld.msk [tilespmem:s29+$0x0 ss:$0x1], $0xffff;
	_ =	sdelay $0x4  }
0x31: {  	v0 =	vmin.u32 v0, $0x80;
	_ =	sdelay $0x3  }
0x32: {  	s30 =	simm.s32 $0x1F8  }
0x33: {  	[spmem:s8] =	stream.indirect_vreg.scatter.add.s32 [tilespmem:s30], [sflag:$0x1], $0x1, v0, vm0, $0x4038;
	[tilespmem:$0x208] =	vst v63  }
0x34: {  	_ =	swait.ge [sflag:s13], $0x80  }
0x35: {  	[sflag:s13] =	ssyncset.done $0x0  }
0x36: {  	[sflag:s13] =	ssyncadd.s32 $0xFFFFFF80  }
0x37: {  	_ =	sfence.sel $0x180000  }
0x38: {  	[bflag:$0x0] =	sbarrier.arrive $0xFFFF  }
0x39: {  	[sflag:s7] =	ssyncpa.u1 $0x1  }
0x3a: {  	[sflag:s13] =	ssyncpa.u1 $0x1  }
0x3b: {  	_ =	sfence.stream.spmem  }
0x3c: {  	s31 =	simm.s32 $0x3D;
	[bflag:$0x0] =	sbarrier.arrive $0xFFFF  }
0x3d: {  	s3 =	simm.s32 @p0 $0x3D;
	[sflag:s31] =	ssyncpa.u1 $0x0  }
0x3e: {  	[sflag:s3] =	ssyncpa.u1 @p0 $0x1  }
0x3f: {  	[bflag:$0x0] =	sbarrier.arrive @p0 $0xFFFF  }
0x40: {  	_ =	strace @p0 $0x90000047  }
0x41: {  	s3 =	simm.s32 @!p0 $0x1C3D;
	[bflag:$0x2] =	sbarrier.arrive @p0 $0xFFFF  }
0x42: {  	[hbm:s1], [sflag:s3] =	dma.local @!p0 [spmem:s2], $0x10  }
0x43: {  	s1 =	simm.s32 @!p0 $0x3D  }
0x44: {  	_ =	swait.ge @!p0 [sflag:s1], $0x10  }
0x45: {  	[sflag:s1] =	ssyncset.done @!p0 $0x0  }
0x46: {  	[sflag:s1] =	ssyncadd.s32 @!p0 $0xFFFFFFF0  }
0x47: {  	[sflag:s1] =	ssyncpa.u1 @!p0 $0x1  }
0x48: {  	[bflag:$0x0] =	sbarrier.arrive @!p0 $0xFFFF  }
0x49: {  	_ =	strace @!p0 $0x90000047  }
0x4a: {  	s0 =	sadd.s32 @!p0 $0x100000, s0;
	[bflag:$0x2] =	sbarrier.arrive @!p0 $0xFFFF  }
0x4b: {  	[sflag:s0] =	ssyncadd.tile.s32 @!p0 $0x1;
	_ =	shalt  }
.Lfunc_end2:
_tile_overlayer_lowered:
.L_overlay_start_2:
0x4c: {  	(tag) =	ssettag $0x2  }
0x4d: {  	s0 =	rddreg [dreg:$0x0];
	s2 =	stileid.u32  }
0x4e: {  	s1 =	rddreg [dreg:$0x1];
	p0 =	sne.s32 s2, $0x0  }
0x4f: {  	s3 =	rddreg [dreg:$0x2];
	[bflag:$0x3] =	sbarrier.arrive $0xFFFF;
	s2 =	simm.s32 @!p0 $0x1C01  }
0x50: {  	[timem:s3], [sflag:s2] =	dma.local @!p0 [hbm:s0], s1  }
0x51: {  	s0 =	simm.s32 @!p0 $0x1  }
0x52: {  	_ =	swait.ge @!p0 [sflag:s0], s1  }
0x53: {  	s1 =	ssub.s32 @!p0 $0x0, s1;
	[sflag:s0] =	ssyncset.done @!p0 $0x0  }
0x54: {  	[sflag:s0] =	ssyncadd.s32 @!p0 s1  }
0x55: {  	[bflag:$0x3] =	sbarrier.arrive $0xFFFF  }
0x56: {  	_ =	shalt  }

</sc_bundles>
